<compile_context>
chip_gen: v7x
topology: tpu7x:2x2x1
jax: 0.10.2.dev20260603
libtpu: 0.0.44.dev20260713+nightly
codegen_flags: <defaults>
</compile_context>

<pallas_src>
import functools

import jax
import jax.numpy as jnp
from jax import lax
from jax.experimental import pallas as pl
from jax.experimental.pallas import tpu as pltpu
from jax.experimental.pallas import tpu_sc as plsc

_N = 10000
_E = 320000
_D = 128
_DA = 144
_B = 1024

_NC = 2
_NS = 16
_NW = _NC * _NS
_K = 80
_EPW = _E // _NW
_NCHUNK = _EPW // _K
_RPT = _N // _NS
_SPT = _B // _NS


def _mesh():
    return plsc.VectorSubcoreMesh(core_axis_name="c", subcore_axis_name="s",
                                  num_cores=_NC, num_subcores=_NS)


def _zero_vmem(ref, rows, cols):
    nlane = cols // 16

    def body(i, carry):
        r = i // nlane
        cidx = (i % nlane) * 16
        ref[r, pl.ds(cidx, 16)] = jnp.zeros((16,), jnp.float32)
        return carry

    lax.fori_loop(0, rows * nlane, body, 0)


def _sc_agg1(x_aug, src2d, dst2d):
    @functools.partial(
        pl.kernel,
        out_type=jax.ShapeDtypeStruct((_NC * _N, _DA), jnp.float32),
        mesh=_mesh(),
        compiler_params=pltpu.CompilerParams(use_tc_tiling_on_sc=False),
        scratch_types=[
            pltpu.VMEM_SHARED((_N, _DA), jnp.float32),
            pltpu.VMEM((_NCHUNK, _K), jnp.int32),
            pltpu.VMEM((_NCHUNK, _K), jnp.int32),
            pltpu.VMEM((_K, _DA), jnp.float32),
            pltpu.SemaphoreType.DMA,
        ],
    )
    def k(x_hbm, src_hbm, dst_hbm, out_hbm, shared, src_v, dst_v,
          rows_v, sem):
        c = lax.axis_index("c")
        s = lax.axis_index("s")
        w = c * _NS + s

        _zero_vmem(rows_v, _K, _DA)
        for z in range(_RPT // _K):
            pltpu.sync_copy(rows_v, shared.at[pl.ds(s * _RPT + z * _K, _K)])
        pltpu.sync_copy(rows_v.at[pl.ds(0, _RPT % _K)],
                        shared.at[pl.ds(s * _RPT + (_RPT // _K) * _K,
                                        _RPT % _K)])

        pltpu.sync_copy(src_hbm.at[pl.ds(w * _NCHUNK, _NCHUNK)], src_v)
        pltpu.sync_copy(dst_hbm.at[pl.ds(w * _NCHUNK, _NCHUNK)], dst_v)
        plsc.subcore_barrier()

        def body(j, carry):
            pltpu.async_copy(x_hbm.at[src_v.at[j]], rows_v, sem).wait()
            pltpu.sync_copy(rows_v, shared.at[dst_v.at[j]], add=True)
            return carry

        lax.fori_loop(0, _NCHUNK, body, 0)
        plsc.subcore_barrier()

        pltpu.sync_copy(shared.at[pl.ds(s * _RPT, _RPT)],
                        out_hbm.at[pl.ds(c * _N + s * _RPT, _RPT)])

    return k(x_aug, src2d, dst2d)


def _sc_agg2(h1, src2d, dst2d, node2d, cw):
    @functools.partial(
        pl.kernel,
        out_type=(
            jax.ShapeDtypeStruct((_NC * _B, _D), jnp.float32),
            jax.ShapeDtypeStruct((_B, _D), jnp.float32),
            jax.ShapeDtypeStruct((_B, _D), jnp.float32),
        ),
        mesh=_mesh(),
        compiler_params=pltpu.CompilerParams(use_tc_tiling_on_sc=False),
        scratch_types=[
            pltpu.VMEM_SHARED((_N, _D), jnp.float32),
            pltpu.VMEM((_NCHUNK, _K), jnp.int32),
            pltpu.VMEM((_NCHUNK, _K), jnp.int32),
            pltpu.VMEM((_K, _D), jnp.float32),
            pltpu.VMEM((_SPT,), jnp.int32),
            pltpu.VMEM((_SPT, _D), jnp.float32),
            pltpu.SemaphoreType.DMA,
        ],
    )
    def k(h1_hbm, src_hbm, dst_hbm, node_hbm, cw_hbm, sel_out, h1s_out,
          cws_out, shared, src_v, dst_v, rows_v, nidx_v, selrows_v, sem):
        c = lax.axis_index("c")
        s = lax.axis_index("s")
        w = c * _NS + s

        _zero_vmem(rows_v, _K, _D)
        for z in range(_RPT // _K):
            pltpu.sync_copy(rows_v, shared.at[pl.ds(s * _RPT + z * _K, _K)])
        pltpu.sync_copy(rows_v.at[pl.ds(0, _RPT % _K)],
                        shared.at[pl.ds(s * _RPT + (_RPT // _K) * _K,
                                        _RPT % _K)])

        pltpu.sync_copy(src_hbm.at[pl.ds(w * _NCHUNK, _NCHUNK)], src_v)
        pltpu.sync_copy(dst_hbm.at[pl.ds(w * _NCHUNK, _NCHUNK)], dst_v)
        pltpu.sync_copy(node_hbm.at[s], nidx_v)
        plsc.subcore_barrier()

        def body(j, carry):
            pltpu.async_copy(h1_hbm.at[src_v.at[j]], rows_v, sem).wait()
            pltpu.sync_copy(rows_v, shared.at[dst_v.at[j]], add=True)
            return carry

        lax.fori_loop(0, _NCHUNK, body, 0)
        plsc.subcore_barrier()

        pltpu.async_copy(shared.at[nidx_v], selrows_v, sem).wait()
        pltpu.sync_copy(selrows_v, sel_out.at[pl.ds(c * _B + s * _SPT, _SPT)])

        @pl.when(c == 0)
        def _():
            pltpu.async_copy(h1_hbm.at[nidx_v], selrows_v, sem).wait()
            pltpu.sync_copy(selrows_v, h1s_out.at[pl.ds(s * _SPT, _SPT)])

        @pl.when(c == 1)
        def _():
            pltpu.async_copy(cw_hbm.at[nidx_v], selrows_v, sem).wait()
            pltpu.sync_copy(selrows_v, cws_out.at[pl.ds(s * _SPT, _SPT)])

    return k(h1, src2d, dst2d, node2d, cw)


def _tc_layer1(parts, x, Wl1T, bl1r, Wr1T):
    blk = 1000
    grid = _N // blk

    def body(p0_ref, p1_ref, x_ref, wl_ref, bl_ref, wr_ref, h1_ref, cw_ref):
        ssum = p0_ref[...] + p1_ref[...]
        cnt = ssum[:, _D:_D + 1]
        inv = 1.0 / jnp.maximum(cnt, 1.0)
        mean = ssum[:, :_D] * inv
        h = (jnp.dot(mean, wl_ref[...], preferred_element_type=jnp.float32)
             + bl_ref[...]
             + jnp.dot(x_ref[...], wr_ref[...],
                       preferred_element_type=jnp.float32))
        h1_ref[...] = jnp.maximum(h, 0.0)
        cw_ref[...] = jnp.broadcast_to(inv, (blk, _D))

    return pl.pallas_call(
        body,
        grid=(grid,),
        in_specs=[
            pl.BlockSpec((blk, _DA), lambda i: (i, 0)),
            pl.BlockSpec((blk, _DA), lambda i: (i + grid, 0)),
            pl.BlockSpec((blk, _D), lambda i: (i, 0)),
            pl.BlockSpec((_D, _D), lambda i: (0, 0)),
            pl.BlockSpec((1, _D), lambda i: (0, 0)),
            pl.BlockSpec((_D, _D), lambda i: (0, 0)),
        ],
        out_specs=[
            pl.BlockSpec((blk, _D), lambda i: (i, 0)),
            pl.BlockSpec((blk, _D), lambda i: (i, 0)),
        ],
        out_shape=[
            jax.ShapeDtypeStruct((_N, _D), jnp.float32),
            jax.ShapeDtypeStruct((_N, _D), jnp.float32),
        ],
    )(parts, parts, x, Wl1T, bl1r, Wr1T)


def _tc_head(sel, h1s, cws, Wl2T, bl2r, Wr2T, W1T, b1r, W2T, b2r, W3T, b3r,
             g1r, be1r, g2r, be2r):
    def body(sel_ref, h1s_ref, cws_ref, wl_ref, bl_ref, wr_ref, w1_ref,
             b1_ref, w2_ref, b2_ref, w3_ref, b3_ref, g1_ref, be1_ref,
             g2_ref, be2_ref, out_ref):
        mean2 = (sel_ref[0:_B, :] + sel_ref[_B:2 * _B, :]) * cws_ref[...]
        h2 = (jnp.dot(mean2, wl_ref[...], preferred_element_type=jnp.float32)
              + bl_ref[...]
              + jnp.dot(h1s_ref[...], wr_ref[...],
                        preferred_element_type=jnp.float32))
        z = jnp.dot(h2, w1_ref[...], preferred_element_type=jnp.float32) \
            + b1_ref[...]
        mu = jnp.mean(z, axis=0, keepdims=True)
        var = jnp.mean((z - mu) ** 2, axis=0, keepdims=True)
        z = (z - mu) / jnp.sqrt(var + 1e-5) * g1_ref[...] + be1_ref[...]
        z = jnp.where(z > 0, z, 0.1 * z)
        z = jnp.dot(z, w2_ref[...], preferred_element_type=jnp.float32) \
            + b2_ref[...]
        mu = jnp.mean(z, axis=0, keepdims=True)
        var = jnp.mean((z - mu) ** 2, axis=0, keepdims=True)
        z = (z - mu) / jnp.sqrt(var + 1e-5) * g2_ref[...] + be2_ref[...]
        z = jnp.where(z > 0, z, 0.05 * z)
        out_ref[...] = jnp.dot(z, w3_ref[...],
                               preferred_element_type=jnp.float32) + b3_ref[...]

    return pl.pallas_call(
        body,
        out_shape=jax.ShapeDtypeStruct((_B, 1), jnp.float32),
    )(sel, h1s, cws, Wl2T, bl2r, Wr2T, W1T, b1r, W2T, b2r, W3T, b3r,
      g1r, be1r, g2r, be2r)


def kernel(x, edge_index, node_index, Wl1, bl1, Wr1, Wl2, bl2, Wr2,
           W1, b1, W2, b2, W3, b3, g1, be1, g2, be2):
    x_aug = jnp.concatenate(
        [x, jnp.ones((_N, 1), jnp.float32), jnp.zeros((_N, _DA - _D - 1),
                                                      jnp.float32)], axis=1)
    src2d = edge_index[0].reshape(_NW * _NCHUNK, _K)
    dst2d = edge_index[1].reshape(_NW * _NCHUNK, _K)
    node2d = node_index.reshape(_NS, _SPT)

    parts = _sc_agg1(x_aug, src2d, dst2d)
    h1, cw = _tc_layer1(parts, x, Wl1.T, bl1.reshape(1, -1), Wr1.T)
    sel, h1s, cws = _sc_agg2(h1, src2d, dst2d, node2d, cw)
    out = _tc_head(sel, h1s, cws, Wl2.T, bl2.reshape(1, -1), Wr2.T,
                   W1.T, b1.reshape(1, -1), W2.T, b2.reshape(1, -1),
                   W3.T, b3.reshape(1, -1), g1.reshape(1, -1),
                   be1.reshape(1, -1), g2.reshape(1, -1), be2.reshape(1, -1))
    return out

# --- scband reference (transcript-rebuilt; emitter-appended) ---
"""Pipeline reference for scband-trans-gnn-78099685310579 (READ-ONLY COPY).

The authoritative reference and input builder live on the scoring server;
editing this copy changes nothing except your own understanding.
"""

import jax, jax.numpy as jnp
import numpy as np

N = 10000
E = 320000
D = 128
H = 128
H2 = 64
H3 = 32
B = 1024


def _init_linear(key, out_f, in_f):
    k1, k2 = jax.random.split(key)
    scale = 1.0 / np.sqrt(in_f)
    W = jax.random.uniform(k1, (out_f, in_f), minval=-scale, maxval=scale, dtype=jnp.float32)
    b = jax.random.uniform(k2, (out_f,), minval=-scale, maxval=scale, dtype=jnp.float32)
    return W, b


def setup_inputs(seed: int = 0):
    key = jax.random.key(seed)
    ks = jax.random.split(key, 16)
    x = jax.random.normal(ks[0], (N, D), dtype=jnp.float32)
    edge_index = jax.random.randint(ks[1], (2, E), 0, N, dtype=jnp.int32)
    node_index = jax.random.randint(ks[2], (B,), 0, N, dtype=jnp.int32)
    Wl1, bl1 = _init_linear(ks[3], H, D)
    Wr1, _ = _init_linear(ks[4], H, D)
    Wl2, bl2 = _init_linear(ks[5], H, H)
    Wr2, _ = _init_linear(ks[6], H, H)
    W1, b1 = _init_linear(ks[7], H2, H)
    W2, b2 = _init_linear(ks[8], H3, H2)
    W3, b3 = _init_linear(ks[9], 1, H3)
    g1 = jnp.ones((H2,), dtype=jnp.float32)
    be1 = jnp.zeros((H2,), dtype=jnp.float32)
    g2 = jnp.ones((H3,), dtype=jnp.float32)
    be2 = jnp.zeros((H3,), dtype=jnp.float32)
    return {"x": x, "edge_index": edge_index, "node_index": node_index,
            "Wl1": Wl1, "bl1": bl1, "Wr1": Wr1,
            "Wl2": Wl2, "bl2": bl2, "Wr2": Wr2,
            "W1": W1, "b1": b1, "W2": W2, "b2": b2, "W3": W3, "b3": b3,
            "g1": g1, "be1": be1, "g2": g2, "be2": be2}


def _sage_conv(x, edge_index, Wl, bl, Wr):
    # PyG SAGEConv (mean aggregation): lin_l(mean_{j in N(i)} x_j) + lin_r(x_i)
    src = edge_index[0]
    dst = edge_index[1]
    msg = jnp.take(x, src, axis=0)
    agg = jax.ops.segment_sum(msg, dst, num_segments=N)
    cnt = jax.ops.segment_sum(jnp.ones((msg.shape[0], 1), dtype=x.dtype), dst, num_segments=N)
    mean = agg / jnp.maximum(cnt, 1.0)
    return mean @ Wl.T + bl + x @ Wr.T


def _batchnorm(h, gamma, beta, eps=1e-5):
    mu = jnp.mean(h, axis=0)
    var = jnp.var(h, axis=0)
    return (h - mu) / jnp.sqrt(var + eps) * gamma + beta


def _leaky(h, slope):
    return jnp.where(h > 0, h, slope * h)


def reference(x, edge_index, node_index, Wl1, bl1, Wr1, Wl2, bl2, Wr2,
              W1, b1, W2, b2, W3, b3, g1, be1, g2, be2):
    h = _sage_conv(x, edge_index, Wl1, bl1, Wr1)
    h = jax.nn.relu(h)
    h = _sage_conv(h, edge_index, Wl2, bl2, Wr2)
    h = jnp.take(h, node_index, axis=0)
    h = h @ W1.T + b1
    h = _batchnorm(h, g1, be1)
    h = _leaky(h, 0.1)
    h = h @ W2.T + b2
    h = _batchnorm(h, g2, be2)
    h = _leaky(h, 0.05)
    h = h @ W3.T + b3
    return h

if __name__ == "__main__":
    import jax
    _d = setup_inputs()
    print(jax.jit(kernel)(*tuple(_d.values())))

</pallas_src>

<mosaic_0001>
#map = affine_map<(d0, d1) -> (0, 0)>
module attributes {stable_mosaic.version = 14 : i64} {
  func.func @k(%arg0: i32, %arg1: i32, %arg2: memref<10000x128xf32, #tpu.memory_space<hbm>>, %arg3: memref<4000x80xi32, #tpu.memory_space<hbm>>, %arg4: memref<4000x80xi32, #tpu.memory_space<hbm>>, %arg5: memref<16x64xi32, #tpu.memory_space<hbm>>, %arg6: memref<10000x128xf32, #tpu.memory_space<hbm>>, %arg7: memref<2048x128xf32, #tpu.memory_space<hbm>>, %arg8: memref<1024x128xf32, #tpu.memory_space<hbm>>, %arg9: memref<1024x128xf32, #tpu.memory_space<hbm>>, %arg10: memref<10000x128xf32, #tpu.memory_space<vmem_shared>>, %arg11: memref<125x80xi32, #tpu.memory_space<vmem>>, %arg12: memref<125x80xi32, #tpu.memory_space<vmem>>, %arg13: memref<80x128xf32, #tpu.memory_space<vmem>>, %arg14: memref<64xi32, #tpu.memory_space<vmem>>, %arg15: memref<64x128xf32, #tpu.memory_space<vmem>>, %arg16: memref<!tpu.dma_semaphore, #tpu.memory_space<semaphore_mem>>) attributes {dimension_semantics = [#tpu.dimension_semantics<core_parallel>, #tpu.dimension_semantics<subcore_parallel>], iteration_bounds = array<i64: 2, 16>, scalar_prefetch = 0 : i64, scratch_operands = 7 : i64, tpu.core_type = #tpu.core_type<sc_vector_subcore>, window_params = [{transform_indices = #map}, {transform_indices = #map}, {transform_indices = #map}, {transform_indices = #map}, {transform_indices = #map}, {transform_indices = #map}, {transform_indices = #map}, {transform_indices = #map}]} {
    %mul3A = arith.constant 16 : i32
    %mul3A_0 = arith.muli %arg0, %mul3A : i32
    %add3A = arith.addi %mul3A_0, %arg1 : i32
    %scan3A = arith.constant 0 : i32
    %scan3A_1 = arith.constant 0 : i32
    %scan3A_2 = arith.constant 640 : i32
    %scan3A_3 = arith.addi %scan3A_1, %scan3A_2 : i32
    %scan3A_4 = arith.constant 1 : i32
    scf.for %scan3A_65 = %scan3A_1 to %scan3A_3 step %scan3A_4  : i32 {
      %jit3A = arith.constant 8 : i32
      %div3A = arith.divsi %scan3A_65, %jit3A : i32
      %sign3A = arith.constant 0 : i32
      %sign3A_66 = arith.cmpi sgt, %scan3A_65, %sign3A : i32
      %sign3A_67 = arith.extui %sign3A_66 : i1 to i32
      %sign3A_68 = arith.constant 0 : i32
      %sign3A_69 = arith.cmpi slt, %scan3A_65, %sign3A_68 : i32
      %sign3A_70 = arith.extui %sign3A_69 : i1 to i32
      %sign3A_71 = arith.subi %sign3A_67, %sign3A_70 : i32
      %sign3A_72 = arith.constant 0 : i32
      %sign3A_73 = arith.cmpi sgt, %jit3A, %sign3A_72 : i32
      %sign3A_74 = arith.extui %sign3A_73 : i1 to i32
      %sign3A_75 = arith.constant 0 : i32
      %sign3A_76 = arith.cmpi slt, %jit3A, %sign3A_75 : i32
      %sign3A_77 = arith.extui %sign3A_76 : i1 to i32
      %sign3A_78 = arith.subi %sign3A_74, %sign3A_77 : i32
      %ne3A = arith.cmpi ne, %sign3A_71, %sign3A_78 : i32
      %rem3A = arith.remsi %scan3A_65, %jit3A : i32
      %ne3A_79 = arith.constant 0 : i32
      %ne3A_80 = arith.cmpi ne, %rem3A, %ne3A_79 : i32
      %and3A = arith.andi %ne3A, %ne3A_80 : i1
      %sub3A = arith.constant 1 : i32
      %sub3A_81 = arith.subi %div3A, %sub3A : i32
      %select_n3A = arith.select %and3A, %sub3A_81, %div3A : i32
      %jit3A_82 = arith.constant 8 : i32
      %eq3A_83 = arith.constant 0 : i32
      %eq3A_84 = arith.cmpi eq, %jit3A_82, %eq3A_83 : i32
      %jit3A_85 = arith.constant 1 : i32
      %select_n3A_86 = arith.select %eq3A_84, %jit3A_85, %jit3A_82 : i32
      %rem3A_87 = arith.remsi %scan3A_65, %select_n3A_86 : i32
      %ne3A_88 = arith.constant 0 : i32
      %ne3A_89 = arith.cmpi ne, %rem3A_87, %ne3A_88 : i32
      %lt3A = arith.constant 0 : i32
      %lt3A_90 = arith.cmpi slt, %rem3A_87, %lt3A : i32
      %lt3A_91 = arith.constant 0 : i32
      %lt3A_92 = arith.cmpi slt, %select_n3A_86, %lt3A_91 : i32
      %ne3A_93 = arith.xori %lt3A_90, %lt3A_92 : i1
      %and3A_94 = arith.andi %ne3A_93, %ne3A_89 : i1
      %add3A_95 = arith.addi %rem3A_87, %select_n3A_86 : i32
      %select_n3A_96 = arith.select %and3A_94, %add3A_95, %rem3A_87 : i32
      %mul3A_97 = arith.constant 16 : i32
      %mul3A_98 = arith.muli %select_n3A_96, %mul3A_97 : i32
      %broadcast_in_dim3A = arith.constant 0.000000e+00 : f32
      %broadcast_in_dim3A_99 = vector.broadcast %broadcast_in_dim3A : f32 to vector<16xf32>
      %swap3A = arith.index_cast %select_n3A : i32 to index
      %swap3A_100 = arith.index_cast %mul3A_98 : i32 to index
      %swap3A_101 = tpu.vector_load %arg13[%swap3A, %swap3A_100] {strides = array<i32>} : memref<80x128xf32, #tpu.memory_space<vmem>>, vector<1x16xf32>,
      %swap3A_102 = vector.shape_cast %swap3A_101 : vector<1x16xf32> to vector<16xf32>
      %swap3A_103 = vector.shape_cast %broadcast_in_dim3A_99 : vector<16xf32> to vector<1x16xf32>
      tpu.vector_store %arg13[%swap3A, %swap3A_100], %swap3A_103 {strides = array<i32>} : memref<80x128xf32, #tpu.memory_space<vmem>>, vector<1x16xf32>,
    }
    %scan3A_5 = arith.constant 640 : i32
    %mul3A_6 = arith.constant 625 : i32
    %mul3A_7 = arith.muli %arg1, %mul3A_6 : i32
    %add3A_8 = arith.constant 0 : i32
    %add3A_9 = arith.addi %mul3A_7, %add3A_8 : i32
    "tpu.region"() ({
      %run_scoped3A = tpu.sem_alloc : memref<!tpu.dma_semaphore, #tpu.memory_space<semaphore_mem>>
      %dma_start3A_65 = arith.constant 0 : i32
      %dma_start3A_66 = tpu.memref_slice %arg10[%add3A_9, %dma_start3A_65] : memref<10000x128xf32, #tpu.memory_space<vmem_shared>> -> memref<80x128xf32, #tpu.memory_space<vmem_shared>>
      %dma_start3A_67 = arith.constant 0 : i32
      %dma_start3A_68 = tpu.memref_slice %arg10[%add3A_9, %dma_start3A_67] : memref<10000x128xf32, #tpu.memory_space<vmem_shared>> -> memref<80x128xf32, #tpu.memory_space<vmem_shared>>
      tpu.enqueue_dma source(%arg13 : memref<80x128xf32, #tpu.memory_space<vmem>>) target(%dma_start3A_68 : memref<80x128xf32, #tpu.memory_space<vmem_shared>>) target_semaphore(%run_scoped3A : memref<!tpu.dma_semaphore, #tpu.memory_space<semaphore_mem>>)
      %dma_wait3A_69 = arith.constant 0 : i32
      %dma_wait3A_70 = tpu.memref_slice %arg10[%add3A_9, %dma_wait3A_69] : memref<10000x128xf32, #tpu.memory_space<vmem_shared>> -> memref<80x128xf32, #tpu.memory_space<vmem_shared>>
      %dma_wait3A_71 = arith.constant 0 : i32
      %dma_wait3A_72 = tpu.memref_slice %arg10[%add3A_9, %dma_wait3A_71] : memref<10000x128xf32, #tpu.memory_space<vmem_shared>> -> memref<80x128xf32, #tpu.memory_space<vmem_shared>>
      tpu.wait_dma2 semaphore(%run_scoped3A : memref<!tpu.dma_semaphore, #tpu.memory_space<semaphore_mem>>) src(%arg13 : memref<80x128xf32, #tpu.memory_space<vmem>>) dst(%dma_wait3A_72 : memref<80x128xf32, #tpu.memory_space<vmem_shared>>)
      tpu.yield
    }) : () -> ()
    %mul3A_10 = arith.constant 625 : i32
    %mul3A_11 = arith.muli %arg1, %mul3A_10 : i32
    %add3A_12 = arith.constant 80 : i32
    %add3A_13 = arith.addi %mul3A_11, %add3A_12 : i32
    "tpu.region"() ({
      %run_scoped3A = tpu.sem_alloc : memref<!tpu.dma_semaphore, #tpu.memory_space<semaphore_mem>>
      %dma_start3A_65 = arith.constant 0 : i32
      %dma_start3A_66 = tpu.memref_slice %arg10[%add3A_13, %dma_start3A_65] : memref<10000x128xf32, #tpu.memory_space<vmem_shared>> -> memref<80x128xf32, #tpu.memory_space<vmem_shared>>
      %dma_start3A_67 = arith.constant 0 : i32
      %dma_start3A_68 = tpu.memref_slice %arg10[%add3A_13, %dma_start3A_67] : memref<10000x128xf32, #tpu.memory_space<vmem_shared>> -> memref<80x128xf32, #tpu.memory_space<vmem_shared>>
      tpu.enqueue_dma source(%arg13 : memref<80x128xf32, #tpu.memory_space<vmem>>) target(%dma_start3A_68 : memref<80x128xf32, #tpu.memory_space<vmem_shared>>) target_semaphore(%run_scoped3A : memref<!tpu.dma_semaphore, #tpu.memory_space<semaphore_mem>>)
      %dma_wait3A_69 = arith.constant 0 : i32
      %dma_wait3A_70 = tpu.memref_slice %arg10[%add3A_13, %dma_wait3A_69] : memref<10000x128xf32, #tpu.memory_space<vmem_shared>> -> memref<80x128xf32, #tpu.memory_space<vmem_shared>>
      %dma_wait3A_71 = arith.constant 0 : i32
      %dma_wait3A_72 = tpu.memref_slice %arg10[%add3A_13, %dma_wait3A_71] : memref<10000x128xf32, #tpu.memory_space<vmem_shared>> -> memref<80x128xf32, #tpu.memory_space<vmem_shared>>
      tpu.wait_dma2 semaphore(%run_scoped3A : memref<!tpu.dma_semaphore, #tpu.memory_space<semaphore_mem>>) src(%arg13 : memref<80x128xf32, #tpu.memory_space<vmem>>) dst(%dma_wait3A_72 : memref<80x128xf32, #tpu.memory_space<vmem_shared>>)
      tpu.yield
    }) : () -> ()
    %mul3A_14 = arith.constant 625 : i32
    %mul3A_15 = arith.muli %arg1, %mul3A_14 : i32
    %add3A_16 = arith.constant 160 : i32
    %add3A_17 = arith.addi %mul3A_15, %add3A_16 : i32
    "tpu.region"() ({
      %run_scoped3A = tpu.sem_alloc : memref<!tpu.dma_semaphore, #tpu.memory_space<semaphore_mem>>
      %dma_start3A_65 = arith.constant 0 : i32
      %dma_start3A_66 = tpu.memref_slice %arg10[%add3A_17, %dma_start3A_65] : memref<10000x128xf32, #tpu.memory_space<vmem_shared>> -> memref<80x128xf32, #tpu.memory_space<vmem_shared>>
      %dma_start3A_67 = arith.constant 0 : i32
      %dma_start3A_68 = tpu.memref_slice %arg10[%add3A_17, %dma_start3A_67] : memref<10000x128xf32, #tpu.memory_space<vmem_shared>> -> memref<80x128xf32, #tpu.memory_space<vmem_shared>>
      tpu.enqueue_dma source(%arg13 : memref<80x128xf32, #tpu.memory_space<vmem>>) target(%dma_start3A_68 : memref<80x128xf32, #tpu.memory_space<vmem_shared>>) target_semaphore(%run_scoped3A : memref<!tpu.dma_semaphore, #tpu.memory_space<semaphore_mem>>)
      %dma_wait3A_69 = arith.constant 0 : i32
      %dma_wait3A_70 = tpu.memref_slice %arg10[%add3A_17, %dma_wait3A_69] : memref<10000x128xf32, #tpu.memory_space<vmem_shared>> -> memref<80x128xf32, #tpu.memory_space<vmem_shared>>
      %dma_wait3A_71 = arith.constant 0 : i32
      %dma_wait3A_72 = tpu.memref_slice %arg10[%add3A_17, %dma_wait3A_71] : memref<10000x128xf32, #tpu.memory_space<vmem_shared>> -> memref<80x128xf32, #tpu.memory_space<vmem_shared>>
      tpu.wait_dma2 semaphore(%run_scoped3A : memref<!tpu.dma_semaphore, #tpu.memory_space<semaphore_mem>>) src(%arg13 : memref<80x128xf32, #tpu.memory_space<vmem>>) dst(%dma_wait3A_72 : memref<80x128xf32, #tpu.memory_space<vmem_shared>>)
      tpu.yield
    }) : () -> ()
    %mul3A_18 = arith.constant 625 : i32
    %mul3A_19 = arith.muli %arg1, %mul3A_18 : i32
    %add3A_20 = arith.constant 240 : i32
    %add3A_21 = arith.addi %mul3A_19, %add3A_20 : i32
    "tpu.region"() ({
      %run_scoped3A = tpu.sem_alloc : memref<!tpu.dma_semaphore, #tpu.memory_space<semaphore_mem>>
      %dma_start3A_65 = arith.constant 0 : i32
      %dma_start3A_66 = tpu.memref_slice %arg10[%add3A_21, %dma_start3A_65] : memref<10000x128xf32, #tpu.memory_space<vmem_shared>> -> memref<80x128xf32, #tpu.memory_space<vmem_shared>>
      %dma_start3A_67 = arith.constant 0 : i32
      %dma_start3A_68 = tpu.memref_slice %arg10[%add3A_21, %dma_start3A_67] : memref<10000x128xf32, #tpu.memory_space<vmem_shared>> -> memref<80x128xf32, #tpu.memory_space<vmem_shared>>
      tpu.enqueue_dma source(%arg13 : memref<80x128xf32, #tpu.memory_space<vmem>>) target(%dma_start3A_68 : memref<80x128xf32, #tpu.memory_space<vmem_shared>>) target_semaphore(%run_scoped3A : memref<!tpu.dma_semaphore, #tpu.memory_space<semaphore_mem>>)
      %dma_wait3A_69 = arith.constant 0 : i32
      %dma_wait3A_70 = tpu.memref_slice %arg10[%add3A_21, %dma_wait3A_69] : memref<10000x128xf32, #tpu.memory_space<vmem_shared>> -> memref<80x128xf32, #tpu.memory_space<vmem_shared>>
      %dma_wait3A_71 = arith.constant 0 : i32
      %dma_wait3A_72 = tpu.memref_slice %arg10[%add3A_21, %dma_wait3A_71] : memref<10000x128xf32, #tpu.memory_space<vmem_shared>> -> memref<80x128xf32, #tpu.memory_space<vmem_shared>>
      tpu.wait_dma2 semaphore(%run_scoped3A : memref<!tpu.dma_semaphore, #tpu.memory_space<semaphore_mem>>) src(%arg13 : memref<80x128xf32, #tpu.memory_space<vmem>>) dst(%dma_wait3A_72 : memref<80x128xf32, #tpu.memory_space<vmem_shared>>)
      tpu.yield
    }) : () -> ()
    %mul3A_22 = arith.constant 625 : i32
    %mul3A_23 = arith.muli %arg1, %mul3A_22 : i32
    %add3A_24 = arith.constant 320 : i32
    %add3A_25 = arith.addi %mul3A_23, %add3A_24 : i32
    "tpu.region"() ({
      %run_scoped3A = tpu.sem_alloc : memref<!tpu.dma_semaphore, #tpu.memory_space<semaphore_mem>>
      %dma_start3A_65 = arith.constant 0 : i32
      %dma_start3A_66 = tpu.memref_slice %arg10[%add3A_25, %dma_start3A_65] : memref<10000x128xf32, #tpu.memory_space<vmem_shared>> -> memref<80x128xf32, #tpu.memory_space<vmem_shared>>
      %dma_start3A_67 = arith.constant 0 : i32
      %dma_start3A_68 = tpu.memref_slice %arg10[%add3A_25, %dma_start3A_67] : memref<10000x128xf32, #tpu.memory_space<vmem_shared>> -> memref<80x128xf32, #tpu.memory_space<vmem_shared>>
      tpu.enqueue_dma source(%arg13 : memref<80x128xf32, #tpu.memory_space<vmem>>) target(%dma_start3A_68 : memref<80x128xf32, #tpu.memory_space<vmem_shared>>) target_semaphore(%run_scoped3A : memref<!tpu.dma_semaphore, #tpu.memory_space<semaphore_mem>>)
      %dma_wait3A_69 = arith.constant 0 : i32
      %dma_wait3A_70 = tpu.memref_slice %arg10[%add3A_25, %dma_wait3A_69] : memref<10000x128xf32, #tpu.memory_space<vmem_shared>> -> memref<80x128xf32, #tpu.memory_space<vmem_shared>>
      %dma_wait3A_71 = arith.constant 0 : i32
      %dma_wait3A_72 = tpu.memref_slice %arg10[%add3A_25, %dma_wait3A_71] : memref<10000x128xf32, #tpu.memory_space<vmem_shared>> -> memref<80x128xf32, #tpu.memory_space<vmem_shared>>
      tpu.wait_dma2 semaphore(%run_scoped3A : memref<!tpu.dma_semaphore, #tpu.memory_space<semaphore_mem>>) src(%arg13 : memref<80x128xf32, #tpu.memory_space<vmem>>) dst(%dma_wait3A_72 : memref<80x128xf32, #tpu.memory_space<vmem_shared>>)
      tpu.yield
    }) : () -> ()
    %mul3A_26 = arith.constant 625 : i32
    %mul3A_27 = arith.muli %arg1, %mul3A_26 : i32
    %add3A_28 = arith.constant 400 : i32
    %add3A_29 = arith.addi %mul3A_27, %add3A_28 : i32
    "tpu.region"() ({
      %run_scoped3A = tpu.sem_alloc : memref<!tpu.dma_semaphore, #tpu.memory_space<semaphore_mem>>
      %dma_start3A_65 = arith.constant 0 : i32
      %dma_start3A_66 = tpu.memref_slice %arg10[%add3A_29, %dma_start3A_65] : memref<10000x128xf32, #tpu.memory_space<vmem_shared>> -> memref<80x128xf32, #tpu.memory_space<vmem_shared>>
      %dma_start3A_67 = arith.constant 0 : i32
      %dma_start3A_68 = tpu.memref_slice %arg10[%add3A_29, %dma_start3A_67] : memref<10000x128xf32, #tpu.memory_space<vmem_shared>> -> memref<80x128xf32, #tpu.memory_space<vmem_shared>>
      tpu.enqueue_dma source(%arg13 : memref<80x128xf32, #tpu.memory_space<vmem>>) target(%dma_start3A_68 : memref<80x128xf32, #tpu.memory_space<vmem_shared>>) target_semaphore(%run_scoped3A : memref<!tpu.dma_semaphore, #tpu.memory_space<semaphore_mem>>)
      %dma_wait3A_69 = arith.constant 0 : i32
      %dma_wait3A_70 = tpu.memref_slice %arg10[%add3A_29, %dma_wait3A_69] : memref<10000x128xf32, #tpu.memory_space<vmem_shared>> -> memref<80x128xf32, #tpu.memory_space<vmem_shared>>
      %dma_wait3A_71 = arith.constant 0 : i32
      %dma_wait3A_72 = tpu.memref_slice %arg10[%add3A_29, %dma_wait3A_71] : memref<10000x128xf32, #tpu.memory_space<vmem_shared>> -> memref<80x128xf32, #tpu.memory_space<vmem_shared>>
      tpu.wait_dma2 semaphore(%run_scoped3A : memref<!tpu.dma_semaphore, #tpu.memory_space<semaphore_mem>>) src(%arg13 : memref<80x128xf32, #tpu.memory_space<vmem>>) dst(%dma_wait3A_72 : memref<80x128xf32, #tpu.memory_space<vmem_shared>>)
      tpu.yield
    }) : () -> ()
    %mul3A_30 = arith.constant 625 : i32
    %mul3A_31 = arith.muli %arg1, %mul3A_30 : i32
    %add3A_32 = arith.constant 480 : i32
    %add3A_33 = arith.addi %mul3A_31, %add3A_32 : i32
    "tpu.region"() ({
      %run_scoped3A = tpu.sem_alloc : memref<!tpu.dma_semaphore, #tpu.memory_space<semaphore_mem>>
      %dma_start3A_65 = arith.constant 0 : i32
      %dma_start3A_66 = tpu.memref_slice %arg10[%add3A_33, %dma_start3A_65] : memref<10000x128xf32, #tpu.memory_space<vmem_shared>> -> memref<80x128xf32, #tpu.memory_space<vmem_shared>>
      %dma_start3A_67 = arith.constant 0 : i32
      %dma_start3A_68 = tpu.memref_slice %arg10[%add3A_33, %dma_start3A_67] : memref<10000x128xf32, #tpu.memory_space<vmem_shared>> -> memref<80x128xf32, #tpu.memory_space<vmem_shared>>
      tpu.enqueue_dma source(%arg13 : memref<80x128xf32, #tpu.memory_space<vmem>>) target(%dma_start3A_68 : memref<80x128xf32, #tpu.memory_space<vmem_shared>>) target_semaphore(%run_scoped3A : memref<!tpu.dma_semaphore, #tpu.memory_space<semaphore_mem>>)
      %dma_wait3A_69 = arith.constant 0 : i32
      %dma_wait3A_70 = tpu.memref_slice %arg10[%add3A_33, %dma_wait3A_69] : memref<10000x128xf32, #tpu.memory_space<vmem_shared>> -> memref<80x128xf32, #tpu.memory_space<vmem_shared>>
      %dma_wait3A_71 = arith.constant 0 : i32
      %dma_wait3A_72 = tpu.memref_slice %arg10[%add3A_33, %dma_wait3A_71] : memref<10000x128xf32, #tpu.memory_space<vmem_shared>> -> memref<80x128xf32, #tpu.memory_space<vmem_shared>>
      tpu.wait_dma2 semaphore(%run_scoped3A : memref<!tpu.dma_semaphore, #tpu.memory_space<semaphore_mem>>) src(%arg13 : memref<80x128xf32, #tpu.memory_space<vmem>>) dst(%dma_wait3A_72 : memref<80x128xf32, #tpu.memory_space<vmem_shared>>)
      tpu.yield
    }) : () -> ()
    %mul3A_34 = arith.constant 625 : i32
    %mul3A_35 = arith.muli %arg1, %mul3A_34 : i32
    %add3A_36 = arith.constant 560 : i32
    %add3A_37 = arith.addi %mul3A_35, %add3A_36 : i32
    "tpu.region"() ({
      %run_scoped3A = tpu.sem_alloc : memref<!tpu.dma_semaphore, #tpu.memory_space<semaphore_mem>>
      %dma_start3A_65 = arith.constant 0 : i32
      %dma_start3A_66 = arith.constant 0 : i32
      %dma_start3A_67 = tpu.memref_slice %arg13[%dma_start3A_65, %dma_start3A_66] : memref<80x128xf32, #tpu.memory_space<vmem>> -> memref<65x128xf32, #tpu.memory_space<vmem>>
      %dma_start3A_68 = arith.constant 0 : i32
      %dma_start3A_69 = tpu.memref_slice %arg10[%add3A_37, %dma_start3A_68] : memref<10000x128xf32, #tpu.memory_space<vmem_shared>> -> memref<65x128xf32, #tpu.memory_space<vmem_shared>>
      %dma_start3A_70 = arith.constant 0 : i32
      %dma_start3A_71 = tpu.memref_slice %arg10[%add3A_37, %dma_start3A_70] : memref<10000x128xf32, #tpu.memory_space<vmem_shared>> -> memref<65x128xf32, #tpu.memory_space<vmem_shared>>
      %dma_start3A_72 = arith.constant 0 : i32
      %dma_start3A_73 = arith.constant 0 : i32
      %dma_start3A_74 = tpu.memref_slice %arg13[%dma_start3A_72, %dma_start3A_73] : memref<80x128xf32, #tpu.memory_space<vmem>> -> memref<65x128xf32, #tpu.memory_space<vmem>>
      tpu.enqueue_dma source(%dma_start3A_74 : memref<65x128xf32, #tpu.memory_space<vmem>>) target(%dma_start3A_71 : memref<65x128xf32, #tpu.memory_space<vmem_shared>>) target_semaphore(%run_scoped3A : memref<!tpu.dma_semaphore, #tpu.memory_space<semaphore_mem>>)
      %dma_wait3A_75 = arith.constant 0 : i32
      %dma_wait3A_76 = arith.constant 0 : i32
      %dma_wait3A_77 = tpu.memref_slice %arg13[%dma_wait3A_75, %dma_wait3A_76] : memref<80x128xf32, #tpu.memory_space<vmem>> -> memref<65x128xf32, #tpu.memory_space<vmem>>
      %dma_wait3A_78 = arith.constant 0 : i32
      %dma_wait3A_79 = tpu.memref_slice %arg10[%add3A_37, %dma_wait3A_78] : memref<10000x128xf32, #tpu.memory_space<vmem_shared>> -> memref<65x128xf32, #tpu.memory_space<vmem_shared>>
      %dma_wait3A_80 = arith.constant 0 : i32
      %dma_wait3A_81 = tpu.memref_slice %arg10[%add3A_37, %dma_wait3A_80] : memref<10000x128xf32, #tpu.memory_space<vmem_shared>> -> memref<65x128xf32, #tpu.memory_space<vmem_shared>>
      %dma_wait3A_82 = arith.constant 0 : i32
      %dma_wait3A_83 = arith.constant 0 : i32
      %dma_wait3A_84 = tpu.memref_slice %arg13[%dma_wait3A_82, %dma_wait3A_83] : memref<80x128xf32, #tpu.memory_space<vmem>> -> memref<65x128xf32, #tpu.memory_space<vmem>>
      tpu.wait_dma2 semaphore(%run_scoped3A : memref<!tpu.dma_semaphore, #tpu.memory_space<semaphore_mem>>) src(%dma_wait3A_84 : memref<65x128xf32, #tpu.memory_space<vmem>>) dst(%dma_wait3A_81 : memref<65x128xf32, #tpu.memory_space<vmem_shared>>)
      tpu.yield
    }) : () -> ()
    %mul3A_38 = arith.constant 125 : i32
    %mul3A_39 = arith.muli %add3A, %mul3A_38 : i32
    "tpu.region"() ({
      %run_scoped3A = tpu.sem_alloc : memref<!tpu.dma_semaphore, #tpu.memory_space<semaphore_mem>>
      %dma_start3A_65 = arith.constant 0 : i32
      %dma_start3A_66 = tpu.memref_slice %arg3[%mul3A_39, %dma_start3A_65] : memref<4000x80xi32, #tpu.memory_space<hbm>> -> memref<125x80xi32, #tpu.memory_space<hbm>>
      %dma_start3A_67 = arith.constant 0 : i32
      %dma_start3A_68 = tpu.memref_slice %arg3[%mul3A_39, %dma_start3A_67] : memref<4000x80xi32, #tpu.memory_space<hbm>> -> memref<125x80xi32, #tpu.memory_space<hbm>>
      tpu.enqueue_dma source(%dma_start3A_68 : memref<125x80xi32, #tpu.memory_space<hbm>>) target(%arg11 : memref<125x80xi32, #tpu.memory_space<vmem>>) target_semaphore(%run_scoped3A : memref<!tpu.dma_semaphore, #tpu.memory_space<semaphore_mem>>)
      %dma_wait3A_69 = arith.constant 0 : i32
      %dma_wait3A_70 = tpu.memref_slice %arg3[%mul3A_39, %dma_wait3A_69] : memref<4000x80xi32, #tpu.memory_space<hbm>> -> memref<125x80xi32, #tpu.memory_space<hbm>>
      %dma_wait3A_71 = arith.constant 0 : i32
      %dma_wait3A_72 = tpu.memref_slice %arg3[%mul3A_39, %dma_wait3A_71] : memref<4000x80xi32, #tpu.memory_space<hbm>> -> memref<125x80xi32, #tpu.memory_space<hbm>>
      tpu.wait_dma2 semaphore(%run_scoped3A : memref<!tpu.dma_semaphore, #tpu.memory_space<semaphore_mem>>) src(%dma_wait3A_72 : memref<125x80xi32, #tpu.memory_space<hbm>>) dst(%arg11 : memref<125x80xi32, #tpu.memory_space<vmem>>)
      tpu.yield
    }) : () -> ()
    %mul3A_40 = arith.constant 125 : i32
    %mul3A_41 = arith.muli %add3A, %mul3A_40 : i32
    "tpu.region"() ({
      %run_scoped3A = tpu.sem_alloc : memref<!tpu.dma_semaphore, #tpu.memory_space<semaphore_mem>>
      %dma_start3A_65 = arith.constant 0 : i32
      %dma_start3A_66 = tpu.memref_slice %arg4[%mul3A_41, %dma_start3A_65] : memref<4000x80xi32, #tpu.memory_space<hbm>> -> memref<125x80xi32, #tpu.memory_space<hbm>>
      %dma_start3A_67 = arith.constant 0 : i32
      %dma_start3A_68 = tpu.memref_slice %arg4[%mul3A_41, %dma_start3A_67] : memref<4000x80xi32, #tpu.memory_space<hbm>> -> memref<125x80xi32, #tpu.memory_space<hbm>>
      tpu.enqueue_dma source(%dma_start3A_68 : memref<125x80xi32, #tpu.memory_space<hbm>>) target(%arg12 : memref<125x80xi32, #tpu.memory_space<vmem>>) target_semaphore(%run_scoped3A : memref<!tpu.dma_semaphore, #tpu.memory_space<semaphore_mem>>)
      %dma_wait3A_69 = arith.constant 0 : i32
      %dma_wait3A_70 = tpu.memref_slice %arg4[%mul3A_41, %dma_wait3A_69] : memref<4000x80xi32, #tpu.memory_space<hbm>> -> memref<125x80xi32, #tpu.memory_space<hbm>>
      %dma_wait3A_71 = arith.constant 0 : i32
      %dma_wait3A_72 = tpu.memref_slice %arg4[%mul3A_41, %dma_wait3A_71] : memref<4000x80xi32, #tpu.memory_space<hbm>> -> memref<125x80xi32, #tpu.memory_space<hbm>>
      tpu.wait_dma2 semaphore(%run_scoped3A : memref<!tpu.dma_semaphore, #tpu.memory_space<semaphore_mem>>) src(%dma_wait3A_72 : memref<125x80xi32, #tpu.memory_space<hbm>>) dst(%arg12 : memref<125x80xi32, #tpu.memory_space<vmem>>)
      tpu.yield
    }) : () -> ()
    "tpu.region"() ({
      %run_scoped3A = tpu.sem_alloc : memref<!tpu.dma_semaphore, #tpu.memory_space<semaphore_mem>>
      %dma_start3A_65 = arith.constant 0 : i32
      %dma_start3A_66 = tpu.memref_slice %arg5[%arg1, %dma_start3A_65] : memref<16x64xi32, #tpu.memory_space<hbm>> -> memref<1x64xi32, #tpu.memory_space<hbm>>
      %dma_start3A_67 = tpu.memref_squeeze %dma_start3A_66 : memref<1x64xi32, #tpu.memory_space<hbm>> -> memref<64xi32, #tpu.memory_space<hbm>>
      %dma_start3A_68 = arith.constant 0 : i32
      %dma_start3A_69 = tpu.memref_slice %arg5[%arg1, %dma_start3A_68] : memref<16x64xi32, #tpu.memory_space<hbm>> -> memref<1x64xi32, #tpu.memory_space<hbm>>
      %dma_start3A_70 = tpu.memref_squeeze %dma_start3A_69 : memref<1x64xi32, #tpu.memory_space<hbm>> -> memref<64xi32, #tpu.memory_space<hbm>>
      tpu.enqueue_dma source(%dma_start3A_70 : memref<64xi32, #tpu.memory_space<hbm>>) target(%arg14 : memref<64xi32, #tpu.memory_space<vmem>>) target_semaphore(%run_scoped3A : memref<!tpu.dma_semaphore, #tpu.memory_space<semaphore_mem>>)
      %dma_wait3A_71 = arith.constant 0 : i32
      %dma_wait3A_72 = tpu.memref_slice %arg5[%arg1, %dma_wait3A_71] : memref<16x64xi32, #tpu.memory_space<hbm>> -> memref<1x64xi32, #tpu.memory_space<hbm>>
      %dma_wait3A_73 = tpu.memref_squeeze %dma_wait3A_72 : memref<1x64xi32, #tpu.memory_space<hbm>> -> memref<64xi32, #tpu.memory_space<hbm>>
      %dma_wait3A_74 = arith.constant 0 : i32
      %dma_wait3A_75 = tpu.memref_slice %arg5[%arg1, %dma_wait3A_74] : memref<16x64xi32, #tpu.memory_space<hbm>> -> memref<1x64xi32, #tpu.memory_space<hbm>>
      %dma_wait3A_76 = tpu.memref_squeeze %dma_wait3A_75 : memref<1x64xi32, #tpu.memory_space<hbm>> -> memref<64xi32, #tpu.memory_space<hbm>>
      tpu.wait_dma2 semaphore(%run_scoped3A : memref<!tpu.dma_semaphore, #tpu.memory_space<semaphore_mem>>) src(%dma_wait3A_76 : memref<64xi32, #tpu.memory_space<hbm>>) dst(%arg14 : memref<64xi32, #tpu.memory_space<vmem>>)
      tpu.yield
    }) : () -> ()
    %barrier3A = arith.constant 0 : index
    tpu.barrier barrier_id(%barrier3A)
    %scan3A_42 = arith.constant 0 : i32
    %scan3A_43 = arith.constant 0 : i32
    %scan3A_44 = arith.constant 125 : i32
    %scan3A_45 = arith.addi %scan3A_43, %scan3A_44 : i32
    %scan3A_46 = arith.constant 1 : i32
    scf.for %scan3A_65 = %scan3A_43 to %scan3A_45 step %scan3A_46  : i32 {
      %dma_start3A_66 = arith.constant 0 : i32
      %dma_start3A_67 = tpu.memref_slice %arg11[%scan3A_65, %dma_start3A_66] : memref<125x80xi32, #tpu.memory_space<vmem>> -> memref<1x80xi32, #tpu.memory_space<vmem>>
      %dma_start3A_68 = tpu.memref_squeeze %dma_start3A_67 : memref<1x80xi32, #tpu.memory_space<vmem>> -> memref<80xi32, #tpu.memory_space<vmem>>
      %dma_start3A_69 = arith.constant 0 : i32
      %dma_start3A_70 = arith.constant 0 : i32
      %dma_start3A_71 = tpu.memref_slice %arg2[%dma_start3A_69, %dma_start3A_70] : memref<10000x128xf32, #tpu.memory_space<hbm>> -> memref<10000x128xf32, #tpu.memory_space<hbm>>
      tpu.enqueue_indirect_dma source(%dma_start3A_71 : memref<10000x128xf32, #tpu.memory_space<hbm>>) target(%arg13 : memref<80x128xf32, #tpu.memory_space<vmem>>) offsets(%dma_start3A_68 : memref<80xi32, #tpu.memory_space<vmem>>) semaphore(%arg16 : memref<!tpu.dma_semaphore, #tpu.memory_space<semaphore_mem>>)
      %dma_wait3A_72 = arith.constant 0 : i32
      %dma_wait3A_73 = tpu.memref_slice %arg11[%scan3A_65, %dma_wait3A_72] : memref<125x80xi32, #tpu.memory_space<vmem>> -> memref<1x80xi32, #tpu.memory_space<vmem>>
      %dma_wait3A_74 = tpu.memref_squeeze %dma_wait3A_73 : memref<1x80xi32, #tpu.memory_space<vmem>> -> memref<80xi32, #tpu.memory_space<vmem>>
      %dma_wait3A_75 = arith.constant 0 : i32
      %dma_wait3A_76 = arith.constant 0 : i32
      %dma_wait3A_77 = tpu.memref_slice %arg2[%dma_wait3A_75, %dma_wait3A_76] : memref<10000x128xf32, #tpu.memory_space<hbm>> -> memref<10000x128xf32, #tpu.memory_space<hbm>>
      tpu.wait_indirect_dma semaphore(%arg16 : memref<!tpu.dma_semaphore, #tpu.memory_space<semaphore_mem>>) src(%dma_wait3A_77 : memref<10000x128xf32, #tpu.memory_space<hbm>>) dst(%arg13 : memref<80x128xf32, #tpu.memory_space<vmem>>)
      "tpu.region"() ({
        %run_scoped3A = tpu.sem_alloc : memref<!tpu.dma_semaphore, #tpu.memory_space<semaphore_mem>>
        %dma_start3A_78 = arith.constant 0 : i32
        %dma_start3A_79 = tpu.memref_slice %arg12[%scan3A_65, %dma_start3A_78] : memref<125x80xi32, #tpu.memory_space<vmem>> -> memref<1x80xi32, #tpu.memory_space<vmem>>
        %dma_start3A_80 = tpu.memref_squeeze %dma_start3A_79 : memref<1x80xi32, #tpu.memory_space<vmem>> -> memref<80xi32, #tpu.memory_space<vmem>>
        %dma_start3A_81 = arith.constant 0 : i32
        %dma_start3A_82 = arith.constant 0 : i32
        %dma_start3A_83 = tpu.memref_slice %arg10[%dma_start3A_81, %dma_start3A_82] : memref<10000x128xf32, #tpu.memory_space<vmem_shared>> -> memref<10000x128xf32, #tpu.memory_space<vmem_shared>>
        tpu.enqueue_indirect_dma source(%arg13 : memref<80x128xf32, #tpu.memory_space<vmem>>) target(%dma_start3A_83 : memref<10000x128xf32, #tpu.memory_space<vmem_shared>>) offsets(%dma_start3A_80 : memref<80xi32, #tpu.memory_space<vmem>>) semaphore(%run_scoped3A : memref<!tpu.dma_semaphore, #tpu.memory_space<semaphore_mem>>) {add = true}
        %dma_wait3A_84 = arith.constant 0 : i32
        %dma_wait3A_85 = tpu.memref_slice %arg12[%scan3A_65, %dma_wait3A_84] : memref<125x80xi32, #tpu.memory_space<vmem>> -> memref<1x80xi32, #tpu.memory_space<vmem>>
        %dma_wait3A_86 = tpu.memref_squeeze %dma_wait3A_85 : memref<1x80xi32, #tpu.memory_space<vmem>> -> memref<80xi32, #tpu.memory_space<vmem>>
        %dma_wait3A_87 = arith.constant 0 : i32
        %dma_wait3A_88 = arith.constant 0 : i32
        %dma_wait3A_89 = tpu.memref_slice %arg10[%dma_wait3A_87, %dma_wait3A_88] : memref<10000x128xf32, #tpu.memory_space<vmem_shared>> -> memref<10000x128xf32, #tpu.memory_space<vmem_shared>>
        tpu.wait_indirect_dma semaphore(%run_scoped3A : memref<!tpu.dma_semaphore, #tpu.memory_space<semaphore_mem>>) src(%arg13 : memref<80x128xf32, #tpu.memory_space<vmem>>) dst(%dma_wait3A_89 : memref<10000x128xf32, #tpu.memory_space<vmem_shared>>)
        tpu.yield
      }) : () -> ()
    }
    %scan3A_47 = arith.constant 125 : i32
    %barrier3A_48 = arith.constant 0 : index
    tpu.barrier barrier_id(%barrier3A_48)
    %dma_start3A = arith.constant 0 : i32
    %dma_start3A_49 = arith.constant 0 : i32
    %dma_start3A_50 = tpu.memref_slice %arg10[%dma_start3A, %dma_start3A_49] : memref<10000x128xf32, #tpu.memory_space<vmem_shared>> -> memref<10000x128xf32, #tpu.memory_space<vmem_shared>>
    tpu.enqueue_indirect_dma source(%dma_start3A_50 : memref<10000x128xf32, #tpu.memory_space<vmem_shared>>) target(%arg15 : memref<64x128xf32, #tpu.memory_space<vmem>>) offsets(%arg14 : memref<64xi32, #tpu.memory_space<vmem>>) semaphore(%arg16 : memref<!tpu.dma_semaphore, #tpu.memory_space<semaphore_mem>>)
    %dma_wait3A = arith.constant 0 : i32
    %dma_wait3A_51 = arith.constant 0 : i32
    %dma_wait3A_52 = tpu.memref_slice %arg10[%dma_wait3A, %dma_wait3A_51] : memref<10000x128xf32, #tpu.memory_space<vmem_shared>> -> memref<10000x128xf32, #tpu.memory_space<vmem_shared>>
    tpu.wait_indirect_dma semaphore(%arg16 : memref<!tpu.dma_semaphore, #tpu.memory_space<semaphore_mem>>) src(%dma_wait3A_52 : memref<10000x128xf32, #tpu.memory_space<vmem_shared>>) dst(%arg15 : memref<64x128xf32, #tpu.memory_space<vmem>>)
    %mul3A_53 = arith.constant 1024 : i32
    %mul3A_54 = arith.muli %arg0, %mul3A_53 : i32
    %mul3A_55 = arith.constant 64 : i32
    %mul3A_56 = arith.muli %arg1, %mul3A_55 : i32
    %add3A_57 = arith.addi %mul3A_54, %mul3A_56 : i32
    "tpu.region"() ({
      %run_scoped3A = tpu.sem_alloc : memref<!tpu.dma_semaphore, #tpu.memory_space<semaphore_mem>>
      %dma_start3A_65 = arith.constant 0 : i32
      %dma_start3A_66 = tpu.memref_slice %arg7[%add3A_57, %dma_start3A_65] : memref<2048x128xf32, #tpu.memory_space<hbm>> -> memref<64x128xf32, #tpu.memory_space<hbm>>
      %dma_start3A_67 = arith.constant 0 : i32
      %dma_start3A_68 = tpu.memref_slice %arg7[%add3A_57, %dma_start3A_67] : memref<2048x128xf32, #tpu.memory_space<hbm>> -> memref<64x128xf32, #tpu.memory_space<hbm>>
      tpu.enqueue_dma source(%arg15 : memref<64x128xf32, #tpu.memory_space<vmem>>) target(%dma_start3A_68 : memref<64x128xf32, #tpu.memory_space<hbm>>) target_semaphore(%run_scoped3A : memref<!tpu.dma_semaphore, #tpu.memory_space<semaphore_mem>>)
      %dma_wait3A_69 = arith.constant 0 : i32
      %dma_wait3A_70 = tpu.memref_slice %arg7[%add3A_57, %dma_wait3A_69] : memref<2048x128xf32, #tpu.memory_space<hbm>> -> memref<64x128xf32, #tpu.memory_space<hbm>>
      %dma_wait3A_71 = arith.constant 0 : i32
      %dma_wait3A_72 = tpu.memref_slice %arg7[%add3A_57, %dma_wait3A_71] : memref<2048x128xf32, #tpu.memory_space<hbm>> -> memref<64x128xf32, #tpu.memory_space<hbm>>
      tpu.wait_dma2 semaphore(%run_scoped3A : memref<!tpu.dma_semaphore, #tpu.memory_space<semaphore_mem>>) src(%arg15 : memref<64x128xf32, #tpu.memory_space<vmem>>) dst(%dma_wait3A_72 : memref<64x128xf32, #tpu.memory_space<hbm>>)
      tpu.yield
    }) : () -> ()
    %eq3A = arith.constant 0 : i32
    %eq3A_58 = arith.cmpi eq, %arg0, %eq3A : i32
    %convert_element_type3A = arith.extui %eq3A_58 : i1 to i32
    %cond3A = arith.constant 0 : i32
    %cond3A_59 = arith.cmpi ne, %convert_element_type3A, %cond3A : i32
    scf.if %cond3A_59 {
      %dma_start3A_65 = arith.constant 0 : i32
      %dma_start3A_66 = arith.constant 0 : i32
      %dma_start3A_67 = tpu.memref_slice %arg2[%dma_start3A_65, %dma_start3A_66] : memref<10000x128xf32, #tpu.memory_space<hbm>> -> memref<10000x128xf32, #tpu.memory_space<hbm>>
      tpu.enqueue_indirect_dma source(%dma_start3A_67 : memref<10000x128xf32, #tpu.memory_space<hbm>>) target(%arg15 : memref<64x128xf32, #tpu.memory_space<vmem>>) offsets(%arg14 : memref<64xi32, #tpu.memory_space<vmem>>) semaphore(%arg16 : memref<!tpu.dma_semaphore, #tpu.memory_space<semaphore_mem>>)
      %dma_wait3A_68 = arith.constant 0 : i32
      %dma_wait3A_69 = arith.constant 0 : i32
      %dma_wait3A_70 = tpu.memref_slice %arg2[%dma_wait3A_68, %dma_wait3A_69] : memref<10000x128xf32, #tpu.memory_space<hbm>> -> memref<10000x128xf32, #tpu.memory_space<hbm>>
      tpu.wait_indirect_dma semaphore(%arg16 : memref<!tpu.dma_semaphore, #tpu.memory_space<semaphore_mem>>) src(%dma_wait3A_70 : memref<10000x128xf32, #tpu.memory_space<hbm>>) dst(%arg15 : memref<64x128xf32, #tpu.memory_space<vmem>>)
      %mul3A_71 = arith.constant 64 : i32
      %mul3A_72 = arith.muli %arg1, %mul3A_71 : i32
      "tpu.region"() ({
        %run_scoped3A = tpu.sem_alloc : memref<!tpu.dma_semaphore, #tpu.memory_space<semaphore_mem>>
        %dma_start3A_73 = arith.constant 0 : i32
        %dma_start3A_74 = tpu.memref_slice %arg8[%mul3A_72, %dma_start3A_73] : memref<1024x128xf32, #tpu.memory_space<hbm>> -> memref<64x128xf32, #tpu.memory_space<hbm>>
        %dma_start3A_75 = arith.constant 0 : i32
        %dma_start3A_76 = tpu.memref_slice %arg8[%mul3A_72, %dma_start3A_75] : memref<1024x128xf32, #tpu.memory_space<hbm>> -> memref<64x128xf32, #tpu.memory_space<hbm>>
        tpu.enqueue_dma source(%arg15 : memref<64x128xf32, #tpu.memory_space<vmem>>) target(%dma_start3A_76 : memref<64x128xf32, #tpu.memory_space<hbm>>) target_semaphore(%run_scoped3A : memref<!tpu.dma_semaphore, #tpu.memory_space<semaphore_mem>>)
        %dma_wait3A_77 = arith.constant 0 : i32
        %dma_wait3A_78 = tpu.memref_slice %arg8[%mul3A_72, %dma_wait3A_77] : memref<1024x128xf32, #tpu.memory_space<hbm>> -> memref<64x128xf32, #tpu.memory_space<hbm>>
        %dma_wait3A_79 = arith.constant 0 : i32
        %dma_wait3A_80 = tpu.memref_slice %arg8[%mul3A_72, %dma_wait3A_79] : memref<1024x128xf32, #tpu.memory_space<hbm>> -> memref<64x128xf32, #tpu.memory_space<hbm>>
        tpu.wait_dma2 semaphore(%run_scoped3A : memref<!tpu.dma_semaphore, #tpu.memory_space<semaphore_mem>>) src(%arg15 : memref<64x128xf32, #tpu.memory_space<vmem>>) dst(%dma_wait3A_80 : memref<64x128xf32, #tpu.memory_space<hbm>>)
        tpu.yield
      }) : () -> ()
    } else {
    }
    %eq3A_60 = arith.constant 1 : i32
    %eq3A_61 = arith.cmpi eq, %arg0, %eq3A_60 : i32
    %convert_element_type3A_62 = arith.extui %eq3A_61 : i1 to i32
    %cond3A_63 = arith.constant 0 : i32
    %cond3A_64 = arith.cmpi ne, %convert_element_type3A_62, %cond3A_63 : i32
    scf.if %cond3A_64 {
      %dma_start3A_65 = arith.constant 0 : i32
      %dma_start3A_66 = arith.constant 0 : i32
      %dma_start3A_67 = tpu.memref_slice %arg6[%dma_start3A_65, %dma_start3A_66] : memref<10000x128xf32, #tpu.memory_space<hbm>> -> memref<10000x128xf32, #tpu.memory_space<hbm>>
      tpu.enqueue_indirect_dma source(%dma_start3A_67 : memref<10000x128xf32, #tpu.memory_space<hbm>>) target(%arg15 : memref<64x128xf32, #tpu.memory_space<vmem>>) offsets(%arg14 : memref<64xi32, #tpu.memory_space<vmem>>) semaphore(%arg16 : memref<!tpu.dma_semaphore, #tpu.memory_space<semaphore_mem>>)
      %dma_wait3A_68 = arith.constant 0 : i32
      %dma_wait3A_69 = arith.constant 0 : i32
      %dma_wait3A_70 = tpu.memref_slice %arg6[%dma_wait3A_68, %dma_wait3A_69] : memref<10000x128xf32, #tpu.memory_space<hbm>> -> memref<10000x128xf32, #tpu.memory_space<hbm>>
      tpu.wait_indirect_dma semaphore(%arg16 : memref<!tpu.dma_semaphore, #tpu.memory_space<semaphore_mem>>) src(%dma_wait3A_70 : memref<10000x128xf32, #tpu.memory_space<hbm>>) dst(%arg15 : memref<64x128xf32, #tpu.memory_space<vmem>>)
      %mul3A_71 = arith.constant 64 : i32
      %mul3A_72 = arith.muli %arg1, %mul3A_71 : i32
      "tpu.region"() ({
        %run_scoped3A = tpu.sem_alloc : memref<!tpu.dma_semaphore, #tpu.memory_space<semaphore_mem>>
        %dma_start3A_73 = arith.constant 0 : i32
        %dma_start3A_74 = tpu.memref_slice %arg9[%mul3A_72, %dma_start3A_73] : memref<1024x128xf32, #tpu.memory_space<hbm>> -> memref<64x128xf32, #tpu.memory_space<hbm>>
        %dma_start3A_75 = arith.constant 0 : i32
        %dma_start3A_76 = tpu.memref_slice %arg9[%mul3A_72, %dma_start3A_75] : memref<1024x128xf32, #tpu.memory_space<hbm>> -> memref<64x128xf32, #tpu.memory_space<hbm>>
        tpu.enqueue_dma source(%arg15 : memref<64x128xf32, #tpu.memory_space<vmem>>) target(%dma_start3A_76 : memref<64x128xf32, #tpu.memory_space<hbm>>) target_semaphore(%run_scoped3A : memref<!tpu.dma_semaphore, #tpu.memory_space<semaphore_mem>>)
        %dma_wait3A_77 = arith.constant 0 : i32
        %dma_wait3A_78 = tpu.memref_slice %arg9[%mul3A_72, %dma_wait3A_77] : memref<1024x128xf32, #tpu.memory_space<hbm>> -> memref<64x128xf32, #tpu.memory_space<hbm>>
        %dma_wait3A_79 = arith.constant 0 : i32
        %dma_wait3A_80 = tpu.memref_slice %arg9[%mul3A_72, %dma_wait3A_79] : memref<1024x128xf32, #tpu.memory_space<hbm>> -> memref<64x128xf32, #tpu.memory_space<hbm>>
        tpu.wait_dma2 semaphore(%run_scoped3A : memref<!tpu.dma_semaphore, #tpu.memory_space<semaphore_mem>>) src(%arg15 : memref<64x128xf32, #tpu.memory_space<vmem>>) dst(%dma_wait3A_80 : memref<64x128xf32, #tpu.memory_space<hbm>>)
        tpu.yield
      }) : () -> ()
    } else {
    }
    return
  }
}

#map = affine_map<(d0, d1) -> (0, 0)>
module attributes {stable_mosaic.version = 14 : i64} {
  func.func @k(%arg0: i32, %arg1: i32, %arg2: memref<10000x144xf32, #tpu.memory_space<hbm>>, %arg3: memref<4000x80xi32, #tpu.memory_space<hbm>>, %arg4: memref<4000x80xi32, #tpu.memory_space<hbm>>, %arg5: memref<20000x144xf32, #tpu.memory_space<hbm>>, %arg6: memref<10000x144xf32, #tpu.memory_space<vmem_shared>>, %arg7: memref<125x80xi32, #tpu.memory_space<vmem>>, %arg8: memref<125x80xi32, #tpu.memory_space<vmem>>, %arg9: memref<80x144xf32, #tpu.memory_space<vmem>>, %arg10: memref<!tpu.dma_semaphore, #tpu.memory_space<semaphore_mem>>) attributes {dimension_semantics = [#tpu.dimension_semantics<core_parallel>, #tpu.dimension_semantics<subcore_parallel>], iteration_bounds = array<i64: 2, 16>, scalar_prefetch = 0 : i64, scratch_operands = 5 : i64, tpu.core_type = #tpu.core_type<sc_vector_subcore>, window_params = [{transform_indices = #map}, {transform_indices = #map}, {transform_indices = #map}, {transform_indices = #map}]} {
    %mul3A = arith.constant 16 : i32
    %mul3A_0 = arith.muli %arg0, %mul3A : i32
    %add3A = arith.addi %mul3A_0, %arg1 : i32
    %scan3A = arith.constant 0 : i32
    %scan3A_1 = arith.constant 0 : i32
    %scan3A_2 = arith.constant 720 : i32
    %scan3A_3 = arith.addi %scan3A_1, %scan3A_2 : i32
    %scan3A_4 = arith.constant 1 : i32
    scf.for %scan3A_56 = %scan3A_1 to %scan3A_3 step %scan3A_4  : i32 {
      %jit3A = arith.constant 9 : i32
      %div3A = arith.divsi %scan3A_56, %jit3A : i32
      %sign3A = arith.constant 0 : i32
      %sign3A_57 = arith.cmpi sgt, %scan3A_56, %sign3A : i32
      %sign3A_58 = arith.extui %sign3A_57 : i1 to i32
      %sign3A_59 = arith.constant 0 : i32
      %sign3A_60 = arith.cmpi slt, %scan3A_56, %sign3A_59 : i32
      %sign3A_61 = arith.extui %sign3A_60 : i1 to i32
      %sign3A_62 = arith.subi %sign3A_58, %sign3A_61 : i32
      %sign3A_63 = arith.constant 0 : i32
      %sign3A_64 = arith.cmpi sgt, %jit3A, %sign3A_63 : i32
      %sign3A_65 = arith.extui %sign3A_64 : i1 to i32
      %sign3A_66 = arith.constant 0 : i32
      %sign3A_67 = arith.cmpi slt, %jit3A, %sign3A_66 : i32
      %sign3A_68 = arith.extui %sign3A_67 : i1 to i32
      %sign3A_69 = arith.subi %sign3A_65, %sign3A_68 : i32
      %ne3A = arith.cmpi ne, %sign3A_62, %sign3A_69 : i32
      %rem3A = arith.remsi %scan3A_56, %jit3A : i32
      %ne3A_70 = arith.constant 0 : i32
      %ne3A_71 = arith.cmpi ne, %rem3A, %ne3A_70 : i32
      %and3A = arith.andi %ne3A, %ne3A_71 : i1
      %sub3A = arith.constant 1 : i32
      %sub3A_72 = arith.subi %div3A, %sub3A : i32
      %select_n3A = arith.select %and3A, %sub3A_72, %div3A : i32
      %jit3A_73 = arith.constant 9 : i32
      %eq3A = arith.constant 0 : i32
      %eq3A_74 = arith.cmpi eq, %jit3A_73, %eq3A : i32
      %jit3A_75 = arith.constant 1 : i32
      %select_n3A_76 = arith.select %eq3A_74, %jit3A_75, %jit3A_73 : i32
      %rem3A_77 = arith.remsi %scan3A_56, %select_n3A_76 : i32
      %ne3A_78 = arith.constant 0 : i32
      %ne3A_79 = arith.cmpi ne, %rem3A_77, %ne3A_78 : i32
      %lt3A = arith.constant 0 : i32
      %lt3A_80 = arith.cmpi slt, %rem3A_77, %lt3A : i32
      %lt3A_81 = arith.constant 0 : i32
      %lt3A_82 = arith.cmpi slt, %select_n3A_76, %lt3A_81 : i32
      %ne3A_83 = arith.xori %lt3A_80, %lt3A_82 : i1
      %and3A_84 = arith.andi %ne3A_83, %ne3A_79 : i1
      %add3A_85 = arith.addi %rem3A_77, %select_n3A_76 : i32
      %select_n3A_86 = arith.select %and3A_84, %add3A_85, %rem3A_77 : i32
      %mul3A_87 = arith.constant 16 : i32
      %mul3A_88 = arith.muli %select_n3A_86, %mul3A_87 : i32
      %broadcast_in_dim3A = arith.constant 0.000000e+00 : f32
      %broadcast_in_dim3A_89 = vector.broadcast %broadcast_in_dim3A : f32 to vector<16xf32>
      %swap3A = arith.index_cast %select_n3A : i32 to index
      %swap3A_90 = arith.index_cast %mul3A_88 : i32 to index
      %swap3A_91 = tpu.vector_load %arg9[%swap3A, %swap3A_90] {strides = array<i32>} : memref<80x144xf32, #tpu.memory_space<vmem>>, vector<1x16xf32>,
      %swap3A_92 = vector.shape_cast %swap3A_91 : vector<1x16xf32> to vector<16xf32>
      %swap3A_93 = vector.shape_cast %broadcast_in_dim3A_89 : vector<16xf32> to vector<1x16xf32>
      tpu.vector_store %arg9[%swap3A, %swap3A_90], %swap3A_93 {strides = array<i32>} : memref<80x144xf32, #tpu.memory_space<vmem>>, vector<1x16xf32>,
    }
    %scan3A_5 = arith.constant 720 : i32
    %mul3A_6 = arith.constant 625 : i32
    %mul3A_7 = arith.muli %arg1, %mul3A_6 : i32
    %add3A_8 = arith.constant 0 : i32
    %add3A_9 = arith.addi %mul3A_7, %add3A_8 : i32
    "tpu.region"() ({
      %run_scoped3A = tpu.sem_alloc : memref<!tpu.dma_semaphore, #tpu.memory_space<semaphore_mem>>
      %dma_start3A = arith.constant 0 : i32
      %dma_start3A_56 = tpu.memref_slice %arg6[%add3A_9, %dma_start3A] : memref<10000x144xf32, #tpu.memory_space<vmem_shared>> -> memref<80x144xf32, #tpu.memory_space<vmem_shared>>
      %dma_start3A_57 = arith.constant 0 : i32
      %dma_start3A_58 = tpu.memref_slice %arg6[%add3A_9, %dma_start3A_57] : memref<10000x144xf32, #tpu.memory_space<vmem_shared>> -> memref<80x144xf32, #tpu.memory_space<vmem_shared>>
      tpu.enqueue_dma source(%arg9 : memref<80x144xf32, #tpu.memory_space<vmem>>) target(%dma_start3A_58 : memref<80x144xf32, #tpu.memory_space<vmem_shared>>) target_semaphore(%run_scoped3A : memref<!tpu.dma_semaphore, #tpu.memory_space<semaphore_mem>>)
      %dma_wait3A = arith.constant 0 : i32
      %dma_wait3A_59 = tpu.memref_slice %arg6[%add3A_9, %dma_wait3A] : memref<10000x144xf32, #tpu.memory_space<vmem_shared>> -> memref<80x144xf32, #tpu.memory_space<vmem_shared>>
      %dma_wait3A_60 = arith.constant 0 : i32
      %dma_wait3A_61 = tpu.memref_slice %arg6[%add3A_9, %dma_wait3A_60] : memref<10000x144xf32, #tpu.memory_space<vmem_shared>> -> memref<80x144xf32, #tpu.memory_space<vmem_shared>>
      tpu.wait_dma2 semaphore(%run_scoped3A : memref<!tpu.dma_semaphore, #tpu.memory_space<semaphore_mem>>) src(%arg9 : memref<80x144xf32, #tpu.memory_space<vmem>>) dst(%dma_wait3A_61 : memref<80x144xf32, #tpu.memory_space<vmem_shared>>)
      tpu.yield
    }) : () -> ()
    %mul3A_10 = arith.constant 625 : i32
    %mul3A_11 = arith.muli %arg1, %mul3A_10 : i32
    %add3A_12 = arith.constant 80 : i32
    %add3A_13 = arith.addi %mul3A_11, %add3A_12 : i32
    "tpu.region"() ({
      %run_scoped3A = tpu.sem_alloc : memref<!tpu.dma_semaphore, #tpu.memory_space<semaphore_mem>>
      %dma_start3A = arith.constant 0 : i32
      %dma_start3A_56 = tpu.memref_slice %arg6[%add3A_13, %dma_start3A] : memref<10000x144xf32, #tpu.memory_space<vmem_shared>> -> memref<80x144xf32, #tpu.memory_space<vmem_shared>>
      %dma_start3A_57 = arith.constant 0 : i32
      %dma_start3A_58 = tpu.memref_slice %arg6[%add3A_13, %dma_start3A_57] : memref<10000x144xf32, #tpu.memory_space<vmem_shared>> -> memref<80x144xf32, #tpu.memory_space<vmem_shared>>
      tpu.enqueue_dma source(%arg9 : memref<80x144xf32, #tpu.memory_space<vmem>>) target(%dma_start3A_58 : memref<80x144xf32, #tpu.memory_space<vmem_shared>>) target_semaphore(%run_scoped3A : memref<!tpu.dma_semaphore, #tpu.memory_space<semaphore_mem>>)
      %dma_wait3A = arith.constant 0 : i32
      %dma_wait3A_59 = tpu.memref_slice %arg6[%add3A_13, %dma_wait3A] : memref<10000x144xf32, #tpu.memory_space<vmem_shared>> -> memref<80x144xf32, #tpu.memory_space<vmem_shared>>
      %dma_wait3A_60 = arith.constant 0 : i32
      %dma_wait3A_61 = tpu.memref_slice %arg6[%add3A_13, %dma_wait3A_60] : memref<10000x144xf32, #tpu.memory_space<vmem_shared>> -> memref<80x144xf32, #tpu.memory_space<vmem_shared>>
      tpu.wait_dma2 semaphore(%run_scoped3A : memref<!tpu.dma_semaphore, #tpu.memory_space<semaphore_mem>>) src(%arg9 : memref<80x144xf32, #tpu.memory_space<vmem>>) dst(%dma_wait3A_61 : memref<80x144xf32, #tpu.memory_space<vmem_shared>>)
      tpu.yield
    }) : () -> ()
    %mul3A_14 = arith.constant 625 : i32
    %mul3A_15 = arith.muli %arg1, %mul3A_14 : i32
    %add3A_16 = arith.constant 160 : i32
    %add3A_17 = arith.addi %mul3A_15, %add3A_16 : i32
    "tpu.region"() ({
      %run_scoped3A = tpu.sem_alloc : memref<!tpu.dma_semaphore, #tpu.memory_space<semaphore_mem>>
      %dma_start3A = arith.constant 0 : i32
      %dma_start3A_56 = tpu.memref_slice %arg6[%add3A_17, %dma_start3A] : memref<10000x144xf32, #tpu.memory_space<vmem_shared>> -> memref<80x144xf32, #tpu.memory_space<vmem_shared>>
      %dma_start3A_57 = arith.constant 0 : i32
      %dma_start3A_58 = tpu.memref_slice %arg6[%add3A_17, %dma_start3A_57] : memref<10000x144xf32, #tpu.memory_space<vmem_shared>> -> memref<80x144xf32, #tpu.memory_space<vmem_shared>>
      tpu.enqueue_dma source(%arg9 : memref<80x144xf32, #tpu.memory_space<vmem>>) target(%dma_start3A_58 : memref<80x144xf32, #tpu.memory_space<vmem_shared>>) target_semaphore(%run_scoped3A : memref<!tpu.dma_semaphore, #tpu.memory_space<semaphore_mem>>)
      %dma_wait3A = arith.constant 0 : i32
      %dma_wait3A_59 = tpu.memref_slice %arg6[%add3A_17, %dma_wait3A] : memref<10000x144xf32, #tpu.memory_space<vmem_shared>> -> memref<80x144xf32, #tpu.memory_space<vmem_shared>>
      %dma_wait3A_60 = arith.constant 0 : i32
      %dma_wait3A_61 = tpu.memref_slice %arg6[%add3A_17, %dma_wait3A_60] : memref<10000x144xf32, #tpu.memory_space<vmem_shared>> -> memref<80x144xf32, #tpu.memory_space<vmem_shared>>
      tpu.wait_dma2 semaphore(%run_scoped3A : memref<!tpu.dma_semaphore, #tpu.memory_space<semaphore_mem>>) src(%arg9 : memref<80x144xf32, #tpu.memory_space<vmem>>) dst(%dma_wait3A_61 : memref<80x144xf32, #tpu.memory_space<vmem_shared>>)
      tpu.yield
    }) : () -> ()
    %mul3A_18 = arith.constant 625 : i32
    %mul3A_19 = arith.muli %arg1, %mul3A_18 : i32
    %add3A_20 = arith.constant 240 : i32
    %add3A_21 = arith.addi %mul3A_19, %add3A_20 : i32
    "tpu.region"() ({
      %run_scoped3A = tpu.sem_alloc : memref<!tpu.dma_semaphore, #tpu.memory_space<semaphore_mem>>
      %dma_start3A = arith.constant 0 : i32
      %dma_start3A_56 = tpu.memref_slice %arg6[%add3A_21, %dma_start3A] : memref<10000x144xf32, #tpu.memory_space<vmem_shared>> -> memref<80x144xf32, #tpu.memory_space<vmem_shared>>
      %dma_start3A_57 = arith.constant 0 : i32
      %dma_start3A_58 = tpu.memref_slice %arg6[%add3A_21, %dma_start3A_57] : memref<10000x144xf32, #tpu.memory_space<vmem_shared>> -> memref<80x144xf32, #tpu.memory_space<vmem_shared>>
      tpu.enqueue_dma source(%arg9 : memref<80x144xf32, #tpu.memory_space<vmem>>) target(%dma_start3A_58 : memref<80x144xf32, #tpu.memory_space<vmem_shared>>) target_semaphore(%run_scoped3A : memref<!tpu.dma_semaphore, #tpu.memory_space<semaphore_mem>>)
      %dma_wait3A = arith.constant 0 : i32
      %dma_wait3A_59 = tpu.memref_slice %arg6[%add3A_21, %dma_wait3A] : memref<10000x144xf32, #tpu.memory_space<vmem_shared>> -> memref<80x144xf32, #tpu.memory_space<vmem_shared>>
      %dma_wait3A_60 = arith.constant 0 : i32
      %dma_wait3A_61 = tpu.memref_slice %arg6[%add3A_21, %dma_wait3A_60] : memref<10000x144xf32, #tpu.memory_space<vmem_shared>> -> memref<80x144xf32, #tpu.memory_space<vmem_shared>>
      tpu.wait_dma2 semaphore(%run_scoped3A : memref<!tpu.dma_semaphore, #tpu.memory_space<semaphore_mem>>) src(%arg9 : memref<80x144xf32, #tpu.memory_space<vmem>>) dst(%dma_wait3A_61 : memref<80x144xf32, #tpu.memory_space<vmem_shared>>)
      tpu.yield
    }) : () -> ()
    %mul3A_22 = arith.constant 625 : i32
    %mul3A_23 = arith.muli %arg1, %mul3A_22 : i32
    %add3A_24 = arith.constant 320 : i32
    %add3A_25 = arith.addi %mul3A_23, %add3A_24 : i32
    "tpu.region"() ({
      %run_scoped3A = tpu.sem_alloc : memref<!tpu.dma_semaphore, #tpu.memory_space<semaphore_mem>>
      %dma_start3A = arith.constant 0 : i32
      %dma_start3A_56 = tpu.memref_slice %arg6[%add3A_25, %dma_start3A] : memref<10000x144xf32, #tpu.memory_space<vmem_shared>> -> memref<80x144xf32, #tpu.memory_space<vmem_shared>>
      %dma_start3A_57 = arith.constant 0 : i32
      %dma_start3A_58 = tpu.memref_slice %arg6[%add3A_25, %dma_start3A_57] : memref<10000x144xf32, #tpu.memory_space<vmem_shared>> -> memref<80x144xf32, #tpu.memory_space<vmem_shared>>
      tpu.enqueue_dma source(%arg9 : memref<80x144xf32, #tpu.memory_space<vmem>>) target(%dma_start3A_58 : memref<80x144xf32, #tpu.memory_space<vmem_shared>>) target_semaphore(%run_scoped3A : memref<!tpu.dma_semaphore, #tpu.memory_space<semaphore_mem>>)
      %dma_wait3A = arith.constant 0 : i32
      %dma_wait3A_59 = tpu.memref_slice %arg6[%add3A_25, %dma_wait3A] : memref<10000x144xf32, #tpu.memory_space<vmem_shared>> -> memref<80x144xf32, #tpu.memory_space<vmem_shared>>
      %dma_wait3A_60 = arith.constant 0 : i32
      %dma_wait3A_61 = tpu.memref_slice %arg6[%add3A_25, %dma_wait3A_60] : memref<10000x144xf32, #tpu.memory_space<vmem_shared>> -> memref<80x144xf32, #tpu.memory_space<vmem_shared>>
      tpu.wait_dma2 semaphore(%run_scoped3A : memref<!tpu.dma_semaphore, #tpu.memory_space<semaphore_mem>>) src(%arg9 : memref<80x144xf32, #tpu.memory_space<vmem>>) dst(%dma_wait3A_61 : memref<80x144xf32, #tpu.memory_space<vmem_shared>>)
      tpu.yield
    }) : () -> ()
    %mul3A_26 = arith.constant 625 : i32
    %mul3A_27 = arith.muli %arg1, %mul3A_26 : i32
    %add3A_28 = arith.constant 400 : i32
    %add3A_29 = arith.addi %mul3A_27, %add3A_28 : i32
    "tpu.region"() ({
      %run_scoped3A = tpu.sem_alloc : memref<!tpu.dma_semaphore, #tpu.memory_space<semaphore_mem>>
      %dma_start3A = arith.constant 0 : i32
      %dma_start3A_56 = tpu.memref_slice %arg6[%add3A_29, %dma_start3A] : memref<10000x144xf32, #tpu.memory_space<vmem_shared>> -> memref<80x144xf32, #tpu.memory_space<vmem_shared>>
      %dma_start3A_57 = arith.constant 0 : i32
      %dma_start3A_58 = tpu.memref_slice %arg6[%add3A_29, %dma_start3A_57] : memref<10000x144xf32, #tpu.memory_space<vmem_shared>> -> memref<80x144xf32, #tpu.memory_space<vmem_shared>>
      tpu.enqueue_dma source(%arg9 : memref<80x144xf32, #tpu.memory_space<vmem>>) target(%dma_start3A_58 : memref<80x144xf32, #tpu.memory_space<vmem_shared>>) target_semaphore(%run_scoped3A : memref<!tpu.dma_semaphore, #tpu.memory_space<semaphore_mem>>)
      %dma_wait3A = arith.constant 0 : i32
      %dma_wait3A_59 = tpu.memref_slice %arg6[%add3A_29, %dma_wait3A] : memref<10000x144xf32, #tpu.memory_space<vmem_shared>> -> memref<80x144xf32, #tpu.memory_space<vmem_shared>>
      %dma_wait3A_60 = arith.constant 0 : i32
      %dma_wait3A_61 = tpu.memref_slice %arg6[%add3A_29, %dma_wait3A_60] : memref<10000x144xf32, #tpu.memory_space<vmem_shared>> -> memref<80x144xf32, #tpu.memory_space<vmem_shared>>
      tpu.wait_dma2 semaphore(%run_scoped3A : memref<!tpu.dma_semaphore, #tpu.memory_space<semaphore_mem>>) src(%arg9 : memref<80x144xf32, #tpu.memory_space<vmem>>) dst(%dma_wait3A_61 : memref<80x144xf32, #tpu.memory_space<vmem_shared>>)
      tpu.yield
    }) : () -> ()
    %mul3A_30 = arith.constant 625 : i32
    %mul3A_31 = arith.muli %arg1, %mul3A_30 : i32
    %add3A_32 = arith.constant 480 : i32
    %add3A_33 = arith.addi %mul3A_31, %add3A_32 : i32
    "tpu.region"() ({
      %run_scoped3A = tpu.sem_alloc : memref<!tpu.dma_semaphore, #tpu.memory_space<semaphore_mem>>
      %dma_start3A = arith.constant 0 : i32
      %dma_start3A_56 = tpu.memref_slice %arg6[%add3A_33, %dma_start3A] : memref<10000x144xf32, #tpu.memory_space<vmem_shared>> -> memref<80x144xf32, #tpu.memory_space<vmem_shared>>
      %dma_start3A_57 = arith.constant 0 : i32
      %dma_start3A_58 = tpu.memref_slice %arg6[%add3A_33, %dma_start3A_57] : memref<10000x144xf32, #tpu.memory_space<vmem_shared>> -> memref<80x144xf32, #tpu.memory_space<vmem_shared>>
      tpu.enqueue_dma source(%arg9 : memref<80x144xf32, #tpu.memory_space<vmem>>) target(%dma_start3A_58 : memref<80x144xf32, #tpu.memory_space<vmem_shared>>) target_semaphore(%run_scoped3A : memref<!tpu.dma_semaphore, #tpu.memory_space<semaphore_mem>>)
      %dma_wait3A = arith.constant 0 : i32
      %dma_wait3A_59 = tpu.memref_slice %arg6[%add3A_33, %dma_wait3A] : memref<10000x144xf32, #tpu.memory_space<vmem_shared>> -> memref<80x144xf32, #tpu.memory_space<vmem_shared>>
      %dma_wait3A_60 = arith.constant 0 : i32
      %dma_wait3A_61 = tpu.memref_slice %arg6[%add3A_33, %dma_wait3A_60] : memref<10000x144xf32, #tpu.memory_space<vmem_shared>> -> memref<80x144xf32, #tpu.memory_space<vmem_shared>>
      tpu.wait_dma2 semaphore(%run_scoped3A : memref<!tpu.dma_semaphore, #tpu.memory_space<semaphore_mem>>) src(%arg9 : memref<80x144xf32, #tpu.memory_space<vmem>>) dst(%dma_wait3A_61 : memref<80x144xf32, #tpu.memory_space<vmem_shared>>)
      tpu.yield
    }) : () -> ()
    %mul3A_34 = arith.constant 625 : i32
    %mul3A_35 = arith.muli %arg1, %mul3A_34 : i32
    %add3A_36 = arith.constant 560 : i32
    %add3A_37 = arith.addi %mul3A_35, %add3A_36 : i32
    "tpu.region"() ({
      %run_scoped3A = tpu.sem_alloc : memref<!tpu.dma_semaphore, #tpu.memory_space<semaphore_mem>>
      %dma_start3A = arith.constant 0 : i32
      %dma_start3A_56 = arith.constant 0 : i32
      %dma_start3A_57 = tpu.memref_slice %arg9[%dma_start3A, %dma_start3A_56] : memref<80x144xf32, #tpu.memory_space<vmem>> -> memref<65x144xf32, #tpu.memory_space<vmem>>
      %dma_start3A_58 = arith.constant 0 : i32
      %dma_start3A_59 = tpu.memref_slice %arg6[%add3A_37, %dma_start3A_58] : memref<10000x144xf32, #tpu.memory_space<vmem_shared>> -> memref<65x144xf32, #tpu.memory_space<vmem_shared>>
      %dma_start3A_60 = arith.constant 0 : i32
      %dma_start3A_61 = tpu.memref_slice %arg6[%add3A_37, %dma_start3A_60] : memref<10000x144xf32, #tpu.memory_space<vmem_shared>> -> memref<65x144xf32, #tpu.memory_space<vmem_shared>>
      %dma_start3A_62 = arith.constant 0 : i32
      %dma_start3A_63 = arith.constant 0 : i32
      %dma_start3A_64 = tpu.memref_slice %arg9[%dma_start3A_62, %dma_start3A_63] : memref<80x144xf32, #tpu.memory_space<vmem>> -> memref<65x144xf32, #tpu.memory_space<vmem>>
      tpu.enqueue_dma source(%dma_start3A_64 : memref<65x144xf32, #tpu.memory_space<vmem>>) target(%dma_start3A_61 : memref<65x144xf32, #tpu.memory_space<vmem_shared>>) target_semaphore(%run_scoped3A : memref<!tpu.dma_semaphore, #tpu.memory_space<semaphore_mem>>)
      %dma_wait3A = arith.constant 0 : i32
      %dma_wait3A_65 = arith.constant 0 : i32
      %dma_wait3A_66 = tpu.memref_slice %arg9[%dma_wait3A, %dma_wait3A_65] : memref<80x144xf32, #tpu.memory_space<vmem>> -> memref<65x144xf32, #tpu.memory_space<vmem>>
      %dma_wait3A_67 = arith.constant 0 : i32
      %dma_wait3A_68 = tpu.memref_slice %arg6[%add3A_37, %dma_wait3A_67] : memref<10000x144xf32, #tpu.memory_space<vmem_shared>> -> memref<65x144xf32, #tpu.memory_space<vmem_shared>>
      %dma_wait3A_69 = arith.constant 0 : i32
      %dma_wait3A_70 = tpu.memref_slice %arg6[%add3A_37, %dma_wait3A_69] : memref<10000x144xf32, #tpu.memory_space<vmem_shared>> -> memref<65x144xf32, #tpu.memory_space<vmem_shared>>
      %dma_wait3A_71 = arith.constant 0 : i32
      %dma_wait3A_72 = arith.constant 0 : i32
      %dma_wait3A_73 = tpu.memref_slice %arg9[%dma_wait3A_71, %dma_wait3A_72] : memref<80x144xf32, #tpu.memory_space<vmem>> -> memref<65x144xf32, #tpu.memory_space<vmem>>
      tpu.wait_dma2 semaphore(%run_scoped3A : memref<!tpu.dma_semaphore, #tpu.memory_space<semaphore_mem>>) src(%dma_wait3A_73 : memref<65x144xf32, #tpu.memory_space<vmem>>) dst(%dma_wait3A_70 : memref<65x144xf32, #tpu.memory_space<vmem_shared>>)
      tpu.yield
    }) : () -> ()
    %mul3A_38 = arith.constant 125 : i32
    %mul3A_39 = arith.muli %add3A, %mul3A_38 : i32
    "tpu.region"() ({
      %run_scoped3A = tpu.sem_alloc : memref<!tpu.dma_semaphore, #tpu.memory_space<semaphore_mem>>
      %dma_start3A = arith.constant 0 : i32
      %dma_start3A_56 = tpu.memref_slice %arg3[%mul3A_39, %dma_start3A] : memref<4000x80xi32, #tpu.memory_space<hbm>> -> memref<125x80xi32, #tpu.memory_space<hbm>>
      %dma_start3A_57 = arith.constant 0 : i32
      %dma_start3A_58 = tpu.memref_slice %arg3[%mul3A_39, %dma_start3A_57] : memref<4000x80xi32, #tpu.memory_space<hbm>> -> memref<125x80xi32, #tpu.memory_space<hbm>>
      tpu.enqueue_dma source(%dma_start3A_58 : memref<125x80xi32, #tpu.memory_space<hbm>>) target(%arg7 : memref<125x80xi32, #tpu.memory_space<vmem>>) target_semaphore(%run_scoped3A : memref<!tpu.dma_semaphore, #tpu.memory_space<semaphore_mem>>)
      %dma_wait3A = arith.constant 0 : i32
      %dma_wait3A_59 = tpu.memref_slice %arg3[%mul3A_39, %dma_wait3A] : memref<4000x80xi32, #tpu.memory_space<hbm>> -> memref<125x80xi32, #tpu.memory_space<hbm>>
      %dma_wait3A_60 = arith.constant 0 : i32
      %dma_wait3A_61 = tpu.memref_slice %arg3[%mul3A_39, %dma_wait3A_60] : memref<4000x80xi32, #tpu.memory_space<hbm>> -> memref<125x80xi32, #tpu.memory_space<hbm>>
      tpu.wait_dma2 semaphore(%run_scoped3A : memref<!tpu.dma_semaphore, #tpu.memory_space<semaphore_mem>>) src(%dma_wait3A_61 : memref<125x80xi32, #tpu.memory_space<hbm>>) dst(%arg7 : memref<125x80xi32, #tpu.memory_space<vmem>>)
      tpu.yield
    }) : () -> ()
    %mul3A_40 = arith.constant 125 : i32
    %mul3A_41 = arith.muli %add3A, %mul3A_40 : i32
    "tpu.region"() ({
      %run_scoped3A = tpu.sem_alloc : memref<!tpu.dma_semaphore, #tpu.memory_space<semaphore_mem>>
      %dma_start3A = arith.constant 0 : i32
      %dma_start3A_56 = tpu.memref_slice %arg4[%mul3A_41, %dma_start3A] : memref<4000x80xi32, #tpu.memory_space<hbm>> -> memref<125x80xi32, #tpu.memory_space<hbm>>
      %dma_start3A_57 = arith.constant 0 : i32
      %dma_start3A_58 = tpu.memref_slice %arg4[%mul3A_41, %dma_start3A_57] : memref<4000x80xi32, #tpu.memory_space<hbm>> -> memref<125x80xi32, #tpu.memory_space<hbm>>
      tpu.enqueue_dma source(%dma_start3A_58 : memref<125x80xi32, #tpu.memory_space<hbm>>) target(%arg8 : memref<125x80xi32, #tpu.memory_space<vmem>>) target_semaphore(%run_scoped3A : memref<!tpu.dma_semaphore, #tpu.memory_space<semaphore_mem>>)
      %dma_wait3A = arith.constant 0 : i32
      %dma_wait3A_59 = tpu.memref_slice %arg4[%mul3A_41, %dma_wait3A] : memref<4000x80xi32, #tpu.memory_space<hbm>> -> memref<125x80xi32, #tpu.memory_space<hbm>>
      %dma_wait3A_60 = arith.constant 0 : i32
      %dma_wait3A_61 = tpu.memref_slice %arg4[%mul3A_41, %dma_wait3A_60] : memref<4000x80xi32, #tpu.memory_space<hbm>> -> memref<125x80xi32, #tpu.memory_space<hbm>>
      tpu.wait_dma2 semaphore(%run_scoped3A : memref<!tpu.dma_semaphore, #tpu.memory_space<semaphore_mem>>) src(%dma_wait3A_61 : memref<125x80xi32, #tpu.memory_space<hbm>>) dst(%arg8 : memref<125x80xi32, #tpu.memory_space<vmem>>)
      tpu.yield
    }) : () -> ()
    %barrier3A = arith.constant 0 : index
    tpu.barrier barrier_id(%barrier3A)
    %scan3A_42 = arith.constant 0 : i32
    %scan3A_43 = arith.constant 0 : i32
    %scan3A_44 = arith.constant 125 : i32
    %scan3A_45 = arith.addi %scan3A_43, %scan3A_44 : i32
    %scan3A_46 = arith.constant 1 : i32
    scf.for %scan3A_56 = %scan3A_43 to %scan3A_45 step %scan3A_46  : i32 {
      %dma_start3A = arith.constant 0 : i32
      %dma_start3A_57 = tpu.memref_slice %arg7[%scan3A_56, %dma_start3A] : memref<125x80xi32, #tpu.memory_space<vmem>> -> memref<1x80xi32, #tpu.memory_space<vmem>>
      %dma_start3A_58 = tpu.memref_squeeze %dma_start3A_57 : memref<1x80xi32, #tpu.memory_space<vmem>> -> memref<80xi32, #tpu.memory_space<vmem>>
      %dma_start3A_59 = arith.constant 0 : i32
      %dma_start3A_60 = arith.constant 0 : i32
      %dma_start3A_61 = tpu.memref_slice %arg2[%dma_start3A_59, %dma_start3A_60] : memref<10000x144xf32, #tpu.memory_space<hbm>> -> memref<10000x144xf32, #tpu.memory_space<hbm>>
      tpu.enqueue_indirect_dma source(%dma_start3A_61 : memref<10000x144xf32, #tpu.memory_space<hbm>>) target(%arg9 : memref<80x144xf32, #tpu.memory_space<vmem>>) offsets(%dma_start3A_58 : memref<80xi32, #tpu.memory_space<vmem>>) semaphore(%arg10 : memref<!tpu.dma_semaphore, #tpu.memory_space<semaphore_mem>>)
      %dma_wait3A = arith.constant 0 : i32
      %dma_wait3A_62 = tpu.memref_slice %arg7[%scan3A_56, %dma_wait3A] : memref<125x80xi32, #tpu.memory_space<vmem>> -> memref<1x80xi32, #tpu.memory_space<vmem>>
      %dma_wait3A_63 = tpu.memref_squeeze %dma_wait3A_62 : memref<1x80xi32, #tpu.memory_space<vmem>> -> memref<80xi32, #tpu.memory_space<vmem>>
      %dma_wait3A_64 = arith.constant 0 : i32
      %dma_wait3A_65 = arith.constant 0 : i32
      %dma_wait3A_66 = tpu.memref_slice %arg2[%dma_wait3A_64, %dma_wait3A_65] : memref<10000x144xf32, #tpu.memory_space<hbm>> -> memref<10000x144xf32, #tpu.memory_space<hbm>>
      tpu.wait_indirect_dma semaphore(%arg10 : memref<!tpu.dma_semaphore, #tpu.memory_space<semaphore_mem>>) src(%dma_wait3A_66 : memref<10000x144xf32, #tpu.memory_space<hbm>>) dst(%arg9 : memref<80x144xf32, #tpu.memory_space<vmem>>)
      "tpu.region"() ({
        %run_scoped3A = tpu.sem_alloc : memref<!tpu.dma_semaphore, #tpu.memory_space<semaphore_mem>>
        %dma_start3A_67 = arith.constant 0 : i32
        %dma_start3A_68 = tpu.memref_slice %arg8[%scan3A_56, %dma_start3A_67] : memref<125x80xi32, #tpu.memory_space<vmem>> -> memref<1x80xi32, #tpu.memory_space<vmem>>
        %dma_start3A_69 = tpu.memref_squeeze %dma_start3A_68 : memref<1x80xi32, #tpu.memory_space<vmem>> -> memref<80xi32, #tpu.memory_space<vmem>>
        %dma_start3A_70 = arith.constant 0 : i32
        %dma_start3A_71 = arith.constant 0 : i32
        %dma_start3A_72 = tpu.memref_slice %arg6[%dma_start3A_70, %dma_start3A_71] : memref<10000x144xf32, #tpu.memory_space<vmem_shared>> -> memref<10000x144xf32, #tpu.memory_space<vmem_shared>>
        tpu.enqueue_indirect_dma source(%arg9 : memref<80x144xf32, #tpu.memory_space<vmem>>) target(%dma_start3A_72 : memref<10000x144xf32, #tpu.memory_space<vmem_shared>>) offsets(%dma_start3A_69 : memref<80xi32, #tpu.memory_space<vmem>>) semaphore(%run_scoped3A : memref<!tpu.dma_semaphore, #tpu.memory_space<semaphore_mem>>) {add = true}
        %dma_wait3A_73 = arith.constant 0 : i32
        %dma_wait3A_74 = tpu.memref_slice %arg8[%scan3A_56, %dma_wait3A_73] : memref<125x80xi32, #tpu.memory_space<vmem>> -> memref<1x80xi32, #tpu.memory_space<vmem>>
        %dma_wait3A_75 = tpu.memref_squeeze %dma_wait3A_74 : memref<1x80xi32, #tpu.memory_space<vmem>> -> memref<80xi32, #tpu.memory_space<vmem>>
        %dma_wait3A_76 = arith.constant 0 : i32
        %dma_wait3A_77 = arith.constant 0 : i32
        %dma_wait3A_78 = tpu.memref_slice %arg6[%dma_wait3A_76, %dma_wait3A_77] : memref<10000x144xf32, #tpu.memory_space<vmem_shared>> -> memref<10000x144xf32, #tpu.memory_space<vmem_shared>>
        tpu.wait_indirect_dma semaphore(%run_scoped3A : memref<!tpu.dma_semaphore, #tpu.memory_space<semaphore_mem>>) src(%arg9 : memref<80x144xf32, #tpu.memory_space<vmem>>) dst(%dma_wait3A_78 : memref<10000x144xf32, #tpu.memory_space<vmem_shared>>)
        tpu.yield
      }) : () -> ()
    }
    %scan3A_47 = arith.constant 125 : i32
    %barrier3A_48 = arith.constant 0 : index
    tpu.barrier barrier_id(%barrier3A_48)
    %mul3A_49 = arith.constant 625 : i32
    %mul3A_50 = arith.muli %arg1, %mul3A_49 : i32
    %mul3A_51 = arith.constant 10000 : i32
    %mul3A_52 = arith.muli %arg0, %mul3A_51 : i32
    %mul3A_53 = arith.constant 625 : i32
    %mul3A_54 = arith.muli %arg1, %mul3A_53 : i32
    %add3A_55 = arith.addi %mul3A_52, %mul3A_54 : i32
    "tpu.region"() ({
      %run_scoped3A = tpu.sem_alloc : memref<!tpu.dma_semaphore, #tpu.memory_space<semaphore_mem>>
      %dma_start3A = arith.constant 0 : i32
      %dma_start3A_56 = tpu.memref_slice %arg5[%add3A_55, %dma_start3A] : memref<20000x144xf32, #tpu.memory_space<hbm>> -> memref<625x144xf32, #tpu.memory_space<hbm>>
      %dma_start3A_57 = arith.constant 0 : i32
      %dma_start3A_58 = tpu.memref_slice %arg6[%mul3A_50, %dma_start3A_57] : memref<10000x144xf32, #tpu.memory_space<vmem_shared>> -> memref<625x144xf32, #tpu.memory_space<vmem_shared>>
      tpu.enqueue_dma source(%dma_start3A_58 : memref<625x144xf32, #tpu.memory_space<vmem_shared>>) target(%dma_start3A_56 : memref<625x144xf32, #tpu.memory_space<hbm>>) target_semaphore(%run_scoped3A : memref<!tpu.dma_semaphore, #tpu.memory_space<semaphore_mem>>)
      %dma_wait3A = arith.constant 0 : i32
      %dma_wait3A_59 = tpu.memref_slice %arg5[%add3A_55, %dma_wait3A] : memref<20000x144xf32, #tpu.memory_space<hbm>> -> memref<625x144xf32, #tpu.memory_space<hbm>>
      %dma_wait3A_60 = arith.constant 0 : i32
      %dma_wait3A_61 = tpu.memref_slice %arg6[%mul3A_50, %dma_wait3A_60] : memref<10000x144xf32, #tpu.memory_space<vmem_shared>> -> memref<625x144xf32, #tpu.memory_space<vmem_shared>>
      tpu.wait_dma2 semaphore(%run_scoped3A : memref<!tpu.dma_semaphore, #tpu.memory_space<semaphore_mem>>) src(%dma_wait3A_61 : memref<625x144xf32, #tpu.memory_space<vmem_shared>>) dst(%dma_wait3A_59 : memref<625x144xf32, #tpu.memory_space<hbm>>)
      tpu.yield
    }) : () -> ()
    return
  }
}

module attributes {stable_mosaic.version = 14 : i64} {
  func.func @body(%arg0: i32, %arg1: memref<1000x144xf32, #tpu.memory_space<vmem>>, %arg2: memref<1000x144xf32, #tpu.memory_space<vmem>>, %arg3: memref<1000x128xf32, #tpu.memory_space<vmem>>, %arg4: memref<128x128xf32, #tpu.memory_space<vmem>>, %arg5: memref<1x128xf32, #tpu.memory_space<vmem>>, %arg6: memref<128x128xf32, #tpu.memory_space<vmem>>, %arg7: memref<1000x128xf32, #tpu.memory_space<vmem>>, %arg8: memref<1000x128xf32, #tpu.memory_space<vmem>>) attributes {dimension_semantics = [#tpu.dimension_semantics<arbitrary>], iteration_bounds = array<i64: 10>, scalar_prefetch = 0 : i64, scratch_operands = 0 : i64, tpu.core_type = #tpu.core_type<tc>, window_params = [{transform_indices = @transform_0, window_bounds = array<i64: 1000, 144>}, {transform_indices = @transform_1, window_bounds = array<i64: 1000, 144>}, {transform_indices = @transform_2, window_bounds = array<i64: 1000, 128>}, {pipeline_mode = #tpu.pipeline_mode<synchronous>, transform_indices = @transform_3, window_bounds = array<i64: 128, 128>}, {pipeline_mode = #tpu.pipeline_mode<synchronous>, transform_indices = @transform_4, window_bounds = array<i64: 1, 128>}, {pipeline_mode = #tpu.pipeline_mode<synchronous>, transform_indices = @transform_5, window_bounds = array<i64: 128, 128>}, {transform_indices = @transform_6, window_bounds = array<i64: 1000, 128>}, {transform_indices = @transform_7, window_bounds = array<i64: 1000, 128>}]} {
    %get3A = arith.constant 0 : index
    %get3A_0 = arith.constant 0 : index
    %get3A_1 = vector.load %arg1[%get3A, %get3A_0] : memref<1000x144xf32, #tpu.memory_space<vmem>>, vector<1000x144xf32>
    %get3A_2 = arith.constant 0 : index
    %get3A_3 = arith.constant 0 : index
    %get3A_4 = vector.load %arg2[%get3A_2, %get3A_3] : memref<1000x144xf32, #tpu.memory_space<vmem>>, vector<1000x144xf32>
    %add3A = arith.addf %get3A_1, %get3A_4 : vector<1000x144xf32>
    %slice3A = vector.extract_strided_slice %add3A {offsets = [0, 128], sizes = [1000, 1], strides = [1, 1]} : vector<1000x144xf32> to vector<1000x1xf32>
    %max3A = arith.constant 1.000000e+00 : f32
    %max3A_5 = vector.broadcast %max3A : f32 to vector<1000x1xf32>
    %max3A_6 = arith.maximumf %slice3A, %max3A_5 : vector<1000x1xf32>
    %div3A = arith.constant 1.000000e+00 : f32
    %div3A_7 = vector.broadcast %div3A : f32 to vector<1000x1xf32>
    %div3A_8 = arith.divf %div3A_7, %max3A_6 : vector<1000x1xf32>
    %slice3A_9 = vector.extract_strided_slice %add3A {offsets = [0, 0], sizes = [1000, 128], strides = [1, 1]} : vector<1000x144xf32> to vector<1000x128xf32>
    %mul3A = vector.broadcast %div3A_8 : vector<1000x1xf32> to vector<1000x128xf32>
    %mul3A_10 = arith.mulf %slice3A_9, %mul3A : vector<1000x128xf32>
    %get3A_11 = arith.constant 0 : index
    %get3A_12 = arith.constant 0 : index
    %get3A_13 = vector.load %arg4[%get3A_11, %get3A_12] : memref<128x128xf32, #tpu.memory_space<vmem>>, vector<128x128xf32>
    %dot_general3A = arith.constant dense<0.000000e+00> : vector<1000x128xf32>
    %dot_general3A_14 = tpu.matmul %mul3A_10, %get3A_13, %dot_general3A {dimension_numbers = #tpu.dot_dimension_numbers<[1], [0], [0], [1], [0, 0, 1, 1], [], []>, transpose_lhs_hint = false} : vector<1000x128xf32>, vector<128x128xf32>, vector<1000x128xf32> -> vector<1000x128xf32>
    %get3A_15 = arith.constant 0 : index
    %get3A_16 = arith.constant 0 : index
    %get3A_17 = vector.load %arg5[%get3A_15, %get3A_16] : memref<1x128xf32, #tpu.memory_space<vmem>>, vector<1x128xf32>
    %add3A_18 = vector.broadcast %get3A_17 : vector<1x128xf32> to vector<1000x128xf32>
    %add3A_19 = arith.addf %dot_general3A_14, %add3A_18 : vector<1000x128xf32>
    %get3A_20 = arith.constant 0 : index
    %get3A_21 = arith.constant 0 : index
    %get3A_22 = vector.load %arg3[%get3A_20, %get3A_21] : memref<1000x128xf32, #tpu.memory_space<vmem>>, vector<1000x128xf32>
    %get3A_23 = arith.constant 0 : index
    %get3A_24 = arith.constant 0 : index
    %get3A_25 = vector.load %arg6[%get3A_23, %get3A_24] : memref<128x128xf32, #tpu.memory_space<vmem>>, vector<128x128xf32>
    %dot_general3A_26 = arith.constant dense<0.000000e+00> : vector<1000x128xf32>
    %dot_general3A_27 = tpu.matmul %get3A_22, %get3A_25, %dot_general3A_26 {dimension_numbers = #tpu.dot_dimension_numbers<[1], [0], [0], [1], [0, 0, 1, 1], [], []>, transpose_lhs_hint = false} : vector<1000x128xf32>, vector<128x128xf32>, vector<1000x128xf32> -> vector<1000x128xf32>
    %add3A_28 = arith.addf %add3A_19, %dot_general3A_27 : vector<1000x128xf32>
    %max3A_29 = arith.constant 0.000000e+00 : f32
    %max3A_30 = vector.broadcast %max3A_29 : f32 to vector<1000x128xf32>
    %max3A_31 = arith.maximumf %add3A_28, %max3A_30 : vector<1000x128xf32>
    %swap3A = arith.constant 0 : index
    %swap3A_32 = arith.constant 0 : index
    %swap3A_33 = vector.load %arg7[%swap3A, %swap3A_32] : memref<1000x128xf32, #tpu.memory_space<vmem>>, vector<1000x128xf32>
    tpu.vector_store %arg7[%swap3A, %swap3A_32], %max3A_31 {strides = array<i32>} : memref<1000x128xf32, #tpu.memory_space<vmem>>, vector<1000x128xf32>,
    %broadcast_in_dim3A = vector.shape_cast %div3A_8 : vector<1000x1xf32> to vector<1000x1xf32>
    %broadcast_in_dim3A_34 = vector.broadcast %broadcast_in_dim3A : vector<1000x1xf32> to vector<1000x128xf32>
    %swap3A_35 = arith.constant 0 : index
    %swap3A_36 = arith.constant 0 : index
    %swap3A_37 = vector.load %arg8[%swap3A_35, %swap3A_36] : memref<1000x128xf32, #tpu.memory_space<vmem>>, vector<1000x128xf32>
    tpu.vector_store %arg8[%swap3A_35, %swap3A_36], %broadcast_in_dim3A_34 {strides = array<i32>} : memref<1000x128xf32, #tpu.memory_space<vmem>>, vector<1000x128xf32>,
    return
  }
  func.func @transform_0(%arg0: i32) -> (i32, i32) {
    %c0_i32 = arith.constant 0 : i32
    %c0_i32_0 = arith.constant 0 : i32
    return %arg0, %c0_i32 : i32, i32
  }
  func.func @transform_1(%arg0: i32) -> (i32, i32) {
    %add3A = arith.constant 10 : i32
    %add3A_0 = arith.addi %arg0, %add3A : i32
    %c0_i32 = arith.constant 0 : i32
    %c0_i32_1 = arith.constant 0 : i32
    return %add3A_0, %c0_i32 : i32, i32
  }
  func.func @transform_2(%arg0: i32) -> (i32, i32) {
    %c0_i32 = arith.constant 0 : i32
    %c0_i32_0 = arith.constant 0 : i32
    return %arg0, %c0_i32 : i32, i32
  }
  func.func @transform_3(%arg0: i32) -> (i32, i32) {
    %c0_i32 = arith.constant 0 : i32
    %c0_i32_0 = arith.constant 0 : i32
    %c0_i32_1 = arith.constant 0 : i32
    return %c0_i32, %c0_i32_0 : i32, i32
  }
  func.func @transform_4(%arg0: i32) -> (i32, i32) {
    %c0_i32 = arith.constant 0 : i32
    %c0_i32_0 = arith.constant 0 : i32
    %c0_i32_1 = arith.constant 0 : i32
    return %c0_i32, %c0_i32_0 : i32, i32
  }
  func.func @transform_5(%arg0: i32) -> (i32, i32) {
    %c0_i32 = arith.constant 0 : i32
    %c0_i32_0 = arith.constant 0 : i32
    %c0_i32_1 = arith.constant 0 : i32
    return %c0_i32, %c0_i32_0 : i32, i32
  }
  func.func @transform_6(%arg0: i32) -> (i32, i32) {
    %c0_i32 = arith.constant 0 : i32
    %c0_i32_0 = arith.constant 0 : i32
    return %arg0, %c0_i32 : i32, i32
  }
  func.func @transform_7(%arg0: i32) -> (i32, i32) {
    %c0_i32 = arith.constant 0 : i32
    %c0_i32_0 = arith.constant 0 : i32
    return %arg0, %c0_i32 : i32, i32
  }
}

module attributes {stable_mosaic.version = 14 : i64} {
  func.func @body(%arg0: memref<2048x128xf32, #tpu.memory_space<vmem>>, %arg1: memref<1024x128xf32, #tpu.memory_space<vmem>>, %arg2: memref<1024x128xf32, #tpu.memory_space<vmem>>, %arg3: memref<128x128xf32, #tpu.memory_space<vmem>>, %arg4: memref<1x128xf32, #tpu.memory_space<vmem>>, %arg5: memref<128x128xf32, #tpu.memory_space<vmem>>, %arg6: memref<128x64xf32, #tpu.memory_space<vmem>>, %arg7: memref<1x64xf32, #tpu.memory_space<vmem>>, %arg8: memref<64x32xf32, #tpu.memory_space<vmem>>, %arg9: memref<1x32xf32, #tpu.memory_space<vmem>>, %arg10: memref<32x1xf32, #tpu.memory_space<vmem>>, %arg11: memref<1x1xf32, #tpu.memory_space<vmem>>, %arg12: memref<1x64xf32, #tpu.memory_space<vmem>>, %arg13: memref<1x64xf32, #tpu.memory_space<vmem>>, %arg14: memref<1x32xf32, #tpu.memory_space<vmem>>, %arg15: memref<1x32xf32, #tpu.memory_space<vmem>>, %arg16: memref<1024x1xf32, #tpu.memory_space<vmem>>) attributes {dimension_semantics = [], scalar_prefetch = 0 : i64, scratch_operands = 0 : i64, tpu.core_type = #tpu.core_type<tc>} {
    %get3A = arith.constant 0 : index
    %get3A_0 = arith.constant 0 : index
    %get3A_1 = vector.load %arg0[%get3A, %get3A_0] : memref<2048x128xf32, #tpu.memory_space<vmem>>, vector<1024x128xf32>
    %get3A_2 = arith.constant 1024 : index
    %get3A_3 = arith.constant 0 : index
    %get3A_4 = vector.load %arg0[%get3A_2, %get3A_3] : memref<2048x128xf32, #tpu.memory_space<vmem>>, vector<1024x128xf32>
    %add3A = arith.addf %get3A_1, %get3A_4 : vector<1024x128xf32>
    %get3A_5 = arith.constant 0 : index
    %get3A_6 = arith.constant 0 : index
    %get3A_7 = vector.load %arg2[%get3A_5, %get3A_6] : memref<1024x128xf32, #tpu.memory_space<vmem>>, vector<1024x128xf32>
    %mul3A = arith.mulf %add3A, %get3A_7 : vector<1024x128xf32>
    %get3A_8 = arith.constant 0 : index
    %get3A_9 = arith.constant 0 : index
    %get3A_10 = vector.load %arg3[%get3A_8, %get3A_9] : memref<128x128xf32, #tpu.memory_space<vmem>>, vector<128x128xf32>
    %dot_general3A = arith.constant dense<0.000000e+00> : vector<1024x128xf32>
    %dot_general3A_11 = tpu.matmul %mul3A, %get3A_10, %dot_general3A {dimension_numbers = #tpu.dot_dimension_numbers<[1], [0], [0], [1], [0, 0, 1, 1], [], []>, transpose_lhs_hint = false} : vector<1024x128xf32>, vector<128x128xf32>, vector<1024x128xf32> -> vector<1024x128xf32>
    %get3A_12 = arith.constant 0 : index
    %get3A_13 = arith.constant 0 : index
    %get3A_14 = vector.load %arg4[%get3A_12, %get3A_13] : memref<1x128xf32, #tpu.memory_space<vmem>>, vector<1x128xf32>
    %add3A_15 = vector.broadcast %get3A_14 : vector<1x128xf32> to vector<1024x128xf32>
    %add3A_16 = arith.addf %dot_general3A_11, %add3A_15 : vector<1024x128xf32>
    %get3A_17 = arith.constant 0 : index
    %get3A_18 = arith.constant 0 : index
    %get3A_19 = vector.load %arg1[%get3A_17, %get3A_18] : memref<1024x128xf32, #tpu.memory_space<vmem>>, vector<1024x128xf32>
    %get3A_20 = arith.constant 0 : index
    %get3A_21 = arith.constant 0 : index
    %get3A_22 = vector.load %arg5[%get3A_20, %get3A_21] : memref<128x128xf32, #tpu.memory_space<vmem>>, vector<128x128xf32>
    %dot_general3A_23 = arith.constant dense<0.000000e+00> : vector<1024x128xf32>
    %dot_general3A_24 = tpu.matmul %get3A_19, %get3A_22, %dot_general3A_23 {dimension_numbers = #tpu.dot_dimension_numbers<[1], [0], [0], [1], [0, 0, 1, 1], [], []>, transpose_lhs_hint = false} : vector<1024x128xf32>, vector<128x128xf32>, vector<1024x128xf32> -> vector<1024x128xf32>
    %add3A_25 = arith.addf %add3A_16, %dot_general3A_24 : vector<1024x128xf32>
    %get3A_26 = arith.constant 0 : index
    %get3A_27 = arith.constant 0 : index
    %get3A_28 = vector.load %arg6[%get3A_26, %get3A_27] : memref<128x64xf32, #tpu.memory_space<vmem>>, vector<128x64xf32>
    %dot_general3A_29 = arith.constant dense<0.000000e+00> : vector<1024x64xf32>
    %dot_general3A_30 = tpu.matmul %add3A_25, %get3A_28, %dot_general3A_29 {dimension_numbers = #tpu.dot_dimension_numbers<[1], [0], [0], [1], [0, 0, 1, 1], [], []>, transpose_lhs_hint = false} : vector<1024x128xf32>, vector<128x64xf32>, vector<1024x64xf32> -> vector<1024x64xf32>
    %get3A_31 = arith.constant 0 : index
    %get3A_32 = arith.constant 0 : index
    %get3A_33 = vector.load %arg7[%get3A_31, %get3A_32] : memref<1x64xf32, #tpu.memory_space<vmem>>, vector<1x64xf32>
    %add3A_34 = vector.broadcast %get3A_33 : vector<1x64xf32> to vector<1024x64xf32>
    %add3A_35 = arith.addf %dot_general3A_30, %add3A_34 : vector<1024x64xf32>
    %reduce_sum3A = arith.constant dense<0.000000e+00> : vector<64xf32>
    %reduce_sum3A_36 = vector.multi_reduction <add>, %add3A_35, %reduce_sum3A [0] : vector<1024x64xf32> to vector<64xf32>
    %broadcast_in_dim3A = vector.shape_cast %reduce_sum3A_36 : vector<64xf32> to vector<1x64xf32>
    %div3A = arith.constant 1.024000e+03 : f32
    %div3A_37 = vector.broadcast %div3A : f32 to vector<1x64xf32>
    %div3A_38 = arith.divf %broadcast_in_dim3A, %div3A_37 : vector<1x64xf32>
    %sub3A = vector.broadcast %div3A_38 : vector<1x64xf32> to vector<1024x64xf32>
    %sub3A_39 = arith.subf %add3A_35, %sub3A : vector<1024x64xf32>
    %integer_pow3A = arith.mulf %sub3A_39, %sub3A_39 : vector<1024x64xf32>
    %reduce_sum3A_40 = arith.constant dense<0.000000e+00> : vector<64xf32>
    %reduce_sum3A_41 = vector.multi_reduction <add>, %integer_pow3A, %reduce_sum3A_40 [0] : vector<1024x64xf32> to vector<64xf32>
    %broadcast_in_dim3A_42 = vector.shape_cast %reduce_sum3A_41 : vector<64xf32> to vector<1x64xf32>
    %div3A_43 = arith.constant 1.024000e+03 : f32
    %div3A_44 = vector.broadcast %div3A_43 : f32 to vector<1x64xf32>
    %div3A_45 = arith.divf %broadcast_in_dim3A_42, %div3A_44 : vector<1x64xf32>
    %sub3A_46 = vector.broadcast %div3A_38 : vector<1x64xf32> to vector<1024x64xf32>
    %sub3A_47 = arith.subf %add3A_35, %sub3A_46 : vector<1024x64xf32>
    %add3A_48 = arith.constant 9.99999974E-6 : f32
    %add3A_49 = vector.broadcast %add3A_48 : f32 to vector<1x64xf32>
    %add3A_50 = arith.addf %div3A_45, %add3A_49 : vector<1x64xf32>
    %sqrt3A = math.sqrt %add3A_50 : vector<1x64xf32>
    %div3A_51 = vector.broadcast %sqrt3A : vector<1x64xf32> to vector<1024x64xf32>
    %div3A_52 = arith.divf %sub3A_47, %div3A_51 : vector<1024x64xf32>
    %get3A_53 = arith.constant 0 : index
    %get3A_54 = arith.constant 0 : index
    %get3A_55 = vector.load %arg12[%get3A_53, %get3A_54] : memref<1x64xf32, #tpu.memory_space<vmem>>, vector<1x64xf32>
    %mul3A_56 = vector.broadcast %get3A_55 : vector<1x64xf32> to vector<1024x64xf32>
    %mul3A_57 = arith.mulf %div3A_52, %mul3A_56 : vector<1024x64xf32>
    %get3A_58 = arith.constant 0 : index
    %get3A_59 = arith.constant 0 : index
    %get3A_60 = vector.load %arg13[%get3A_58, %get3A_59] : memref<1x64xf32, #tpu.memory_space<vmem>>, vector<1x64xf32>
    %add3A_61 = vector.broadcast %get3A_60 : vector<1x64xf32> to vector<1024x64xf32>
    %add3A_62 = arith.addf %mul3A_57, %add3A_61 : vector<1024x64xf32>
    %gt3A = arith.constant 0.000000e+00 : f32
    %gt3A_63 = vector.broadcast %gt3A : f32 to vector<1024x64xf32>
    %gt3A_64 = arith.cmpf ogt, %add3A_62, %gt3A_63 : vector<1024x64xf32>
    %mul3A_65 = arith.constant 1.000000e-01 : f32
    %mul3A_66 = vector.broadcast %mul3A_65 : f32 to vector<1024x64xf32>
    %mul3A_67 = arith.mulf %mul3A_66, %add3A_62 : vector<1024x64xf32>
    %select_n3A = arith.select %gt3A_64, %add3A_62, %mul3A_67 : vector<1024x64xi1>, vector<1024x64xf32>
    %get3A_68 = arith.constant 0 : index
    %get3A_69 = arith.constant 0 : index
    %get3A_70 = vector.load %arg8[%get3A_68, %get3A_69] : memref<64x32xf32, #tpu.memory_space<vmem>>, vector<64x32xf32>
    %dot_general3A_71 = arith.constant dense<0.000000e+00> : vector<1024x32xf32>
    %dot_general3A_72 = tpu.matmul %select_n3A, %get3A_70, %dot_general3A_71 {dimension_numbers = #tpu.dot_dimension_numbers<[1], [0], [0], [1], [0, 0, 1, 1], [], []>, transpose_lhs_hint = false} : vector<1024x64xf32>, vector<64x32xf32>, vector<1024x32xf32> -> vector<1024x32xf32>
    %get3A_73 = arith.constant 0 : index
    %get3A_74 = arith.constant 0 : index
    %get3A_75 = vector.load %arg9[%get3A_73, %get3A_74] : memref<1x32xf32, #tpu.memory_space<vmem>>, vector<1x32xf32>
    %add3A_76 = vector.broadcast %get3A_75 : vector<1x32xf32> to vector<1024x32xf32>
    %add3A_77 = arith.addf %dot_general3A_72, %add3A_76 : vector<1024x32xf32>
    %reduce_sum3A_78 = arith.constant dense<0.000000e+00> : vector<32xf32>
    %reduce_sum3A_79 = vector.multi_reduction <add>, %add3A_77, %reduce_sum3A_78 [0] : vector<1024x32xf32> to vector<32xf32>
    %broadcast_in_dim3A_80 = vector.shape_cast %reduce_sum3A_79 : vector<32xf32> to vector<1x32xf32>
    %div3A_81 = arith.constant 1.024000e+03 : f32
    %div3A_82 = vector.broadcast %div3A_81 : f32 to vector<1x32xf32>
    %div3A_83 = arith.divf %broadcast_in_dim3A_80, %div3A_82 : vector<1x32xf32>
    %sub3A_84 = vector.broadcast %div3A_83 : vector<1x32xf32> to vector<1024x32xf32>
    %sub3A_85 = arith.subf %add3A_77, %sub3A_84 : vector<1024x32xf32>
    %integer_pow3A_86 = arith.mulf %sub3A_85, %sub3A_85 : vector<1024x32xf32>
    %reduce_sum3A_87 = arith.constant dense<0.000000e+00> : vector<32xf32>
    %reduce_sum3A_88 = vector.multi_reduction <add>, %integer_pow3A_86, %reduce_sum3A_87 [0] : vector<1024x32xf32> to vector<32xf32>
    %broadcast_in_dim3A_89 = vector.shape_cast %reduce_sum3A_88 : vector<32xf32> to vector<1x32xf32>
    %div3A_90 = arith.constant 1.024000e+03 : f32
    %div3A_91 = vector.broadcast %div3A_90 : f32 to vector<1x32xf32>
    %div3A_92 = arith.divf %broadcast_in_dim3A_89, %div3A_91 : vector<1x32xf32>
    %sub3A_93 = vector.broadcast %div3A_83 : vector<1x32xf32> to vector<1024x32xf32>
    %sub3A_94 = arith.subf %add3A_77, %sub3A_93 : vector<1024x32xf32>
    %add3A_95 = arith.constant 9.99999974E-6 : f32
    %add3A_96 = vector.broadcast %add3A_95 : f32 to vector<1x32xf32>
    %add3A_97 = arith.addf %div3A_92, %add3A_96 : vector<1x32xf32>
    %sqrt3A_98 = math.sqrt %add3A_97 : vector<1x32xf32>
    %div3A_99 = vector.broadcast %sqrt3A_98 : vector<1x32xf32> to vector<1024x32xf32>
    %div3A_100 = arith.divf %sub3A_94, %div3A_99 : vector<1024x32xf32>
    %get3A_101 = arith.constant 0 : index
    %get3A_102 = arith.constant 0 : index
    %get3A_103 = vector.load %arg14[%get3A_101, %get3A_102] : memref<1x32xf32, #tpu.memory_space<vmem>>, vector<1x32xf32>
    %mul3A_104 = vector.broadcast %get3A_103 : vector<1x32xf32> to vector<1024x32xf32>
    %mul3A_105 = arith.mulf %div3A_100, %mul3A_104 : vector<1024x32xf32>
    %get3A_106 = arith.constant 0 : index
    %get3A_107 = arith.constant 0 : index
    %get3A_108 = vector.load %arg15[%get3A_106, %get3A_107] : memref<1x32xf32, #tpu.memory_space<vmem>>, vector<1x32xf32>
    %add3A_109 = vector.broadcast %get3A_108 : vector<1x32xf32> to vector<1024x32xf32>
    %add3A_110 = arith.addf %mul3A_105, %add3A_109 : vector<1024x32xf32>
    %gt3A_111 = arith.constant 0.000000e+00 : f32
    %gt3A_112 = vector.broadcast %gt3A_111 : f32 to vector<1024x32xf32>
    %gt3A_113 = arith.cmpf ogt, %add3A_110, %gt3A_112 : vector<1024x32xf32>
    %mul3A_114 = arith.constant 5.000000e-02 : f32
    %mul3A_115 = vector.broadcast %mul3A_114 : f32 to vector<1024x32xf32>
    %mul3A_116 = arith.mulf %mul3A_115, %add3A_110 : vector<1024x32xf32>
    %select_n3A_117 = arith.select %gt3A_113, %add3A_110, %mul3A_116 : vector<1024x32xi1>, vector<1024x32xf32>
    %get3A_118 = arith.constant 0 : index
    %get3A_119 = arith.constant 0 : index
    %get3A_120 = vector.load %arg10[%get3A_118, %get3A_119] : memref<32x1xf32, #tpu.memory_space<vmem>>, vector<32x1xf32>
    %dot_general3A_121 = arith.constant dense<0.000000e+00> : vector<1024x1xf32>
    %dot_general3A_122 = tpu.matmul %select_n3A_117, %get3A_120, %dot_general3A_121 {dimension_numbers = #tpu.dot_dimension_numbers<[1], [0], [0], [1], [0, 0, 1, 1], [], []>, transpose_lhs_hint = false} : vector<1024x32xf32>, vector<32x1xf32>, vector<1024x1xf32> -> vector<1024x1xf32>
    %get3A_123 = arith.constant 0 : index
    %get3A_124 = arith.constant 0 : index
    %get3A_125 = vector.load %arg11[%get3A_123, %get3A_124] : memref<1x1xf32, #tpu.memory_space<vmem>>, vector<1x1xf32>
    %add3A_126 = vector.broadcast %get3A_125 : vector<1x1xf32> to vector<1024x1xf32>
    %add3A_127 = arith.addf %dot_general3A_122, %add3A_126 : vector<1024x1xf32>
    %swap3A = arith.constant 0 : index
    %swap3A_128 = arith.constant 0 : index
    %swap3A_129 = vector.load %arg16[%swap3A, %swap3A_128] : memref<1024x1xf32, #tpu.memory_space<vmem>>, vector<1024x1xf32>
    tpu.vector_store %arg16[%swap3A, %swap3A_128], %add3A_127 {strides = array<i32>} : memref<1024x1xf32, #tpu.memory_space<vmem>>, vector<1024x1xf32>,
    return
  }
}

</mosaic_0001>

<sc_bundles>
// kernel: kernel.6.cloned.1.call-start
scs
__scs_entry_jumppad:
0x0: {  	(pc) =	sbr.rel $0x88, $3  }
0x1: {  	(tag) =	ssettag $0x0;
	lr =	simm.s32 $0x1  }
0x2: {  	[smem:$0x3F8E] =	sst lr;
	_ =	strace $0xD0000000  }
0x3: {  	_ = 	snop  }
0x4: {  	_ = 	snop  }
0x5: {  	_ = 	snop  }
0x6: {  	_ = 	snop  }
0x7: {  	_ = 	snop  }
__scs_overlays_trampoline_lowered:
0x8: {  	[smem:$0x3F9D] =	sst s0  }
0x9: {  	[smem:$0x3F9E] =	sst s1  }
0xa: {  	[smem:$0x3F9F] =	sst s2  }
0xb: {  	[smem:$0x3FA0] =	sst s3  }
0xc: {  	[smem:$0x3FA1] =	sst s4  }
0xd: {  	[smem:$0x3FA2] =	sst s5  }
0xe: {  	[smem:$0x3FA3] =	sst s6  }
0xf: {  	[smem:$0x3FA4] =	sst s7  }
0x10: {  	[smem:$0x3FA5] =	sst s8  }
0x11: {  	[smem:$0x3FA6] =	sst s9;
	s0 =	simm.s32 @!p0 $0x0  }
0x12: {  	s1 =	sld [smem:$0x3F8C];
	s0 =	simm.s32 @p0 $0x1  }
0x13: {  	[smem:$0x3FA7] =	sst s0;
	s0 =	simm.s32 @!p1 $0x0  }
0x14: {  	s2 =	sld [smem:$0x3F8B];
	s0 =	simm.s32 @p1 $0x1  }
0x15: {  	[smem:$0x3FA8] =	sst s0;
	s0 =	simm.s32 @!p2 $0x0  }
0x16: {  	s3 =	sld [smem:$0x3FDB];
	s0 =	simm.s32 @p2 $0x1  }
0x17: {  	s4 =	simm.s32 $0x1BF5;
	[smem:$0x3FAA] =	sst s0  }
0x18: {  	s0 =	sld [smem:$0x3F8D];
	_ =	swait.ge [sflag:s4], $0x0  }
0x19: {  	s7 =	sld [smem:$0x3F8E]  }
0x1a: {  	s8 =	sadd.s32 $0xFFFFE003, lr  }
0x1b: {  	s9 =	sadd.s32 $0xFFFFFEF7, lr;
	s5 =	simm.s32 $0xFFFFFFFF;
	p2 =	slt.u32 s8, $0xFFFFF086  }
0x1c: {  	p1 =	slt.u32 s9, $0xF7A;
	s5 =	simm.s32 @!p2 $0x0  }
0x1d: {  	s5 =	simm.s32 @p1 $0x1;
	p0 =	seq.s32 s7, s2  }
0x1e: {  	s7 =	smul.u32 @!p0 $0xF7A, s2;
	p2 =	seq.s32 @!p0 s5, $0x0  }
0x1f: {  	s9 =	smul.u32 $0xF7A, s1;
	s8 =	simm.s32 @!p0 $0x1BF5;
	p2 =	por !p2, p0  }
0x20: {  	[sflag:s8] =	ssyncset.s32 @!p0 $0xFFFFF086;
	s6 =	sadd.s32 @!p0 s3, s7;
	s7 =	simm.s32 @!p0 $0x108  }
0x21: {  	s3 =	sadd.s32 s3, s9;
	s6 =	sadd.s32 @!p0 $0x88, s6;
	s7 =	simm.s32 @p2 $0x1082  }
0x22: {  	[simem:s7], [sflag:s8] =	dma.local @!p0 [hbm:s6], $0xF7A  }
0x23: {  	s9 =	sor.u32 $0xD0000000, s2;
	s6 =	simm.s32 $0x108;
	_ =	swait.ge @!p0 [sflag:s8], $0x0  }
0x24: {  	s3 =	sadd.s32 $0x88, s3;
	s6 =	simm.s32 @!p1 $0x1082;
	[sflag:s4] =	ssyncset.s32 $0xFFFFF086  }
0x25: {  	[simem:s6], [sflag:s4] =	dma.local [hbm:s3], $0xF7A  }
0x26: {  	[smem:$0x3F8E] =	sst s1;
	(tag) =	ssettag s2;
	_ =	strace s9  }
0x27: {  	s1 =	sld [smem:$0x3F9E]  }
0x28: {  	s2 =	sld [smem:$0x3F9F]  }
0x29: {  	s4 =	sld [smem:$0x3FA1]  }
0x2a: {  	p0 =	seq.s32 s5, $0x0;
	s5 =	sld [smem:$0x3FA2]  }
0x2b: {  	s6 =	sld [smem:$0x3FA3]  }
0x2c: {  	s7 =	sld [smem:$0x3FA4]  }
0x2d: {  	s3 =	simm.s32 $0x108;
	s8 =	sld [smem:$0x3FA5]  }
0x2e: {  	s3 =	simm.s32 @!p0 $0x1082;
	s9 =	sld [smem:$0x3FA6]  }
0x2f: {  	lr =	sadd.s32 s0, s3;
	s0 =	sld [smem:$0x3F9D]  }
0x30: {  	s3 =	sld [smem:$0x3FA0]  }
0x31: {  	[smem:$0x3FA9] =	sst s10  }
0x32: {  	s10 =	sld [smem:$0x3FA7];
	_ =	sdelay $0x3  }
0x33: {  	p0 =	seq.s32 s10, $0x1;
	s10 =	sld [smem:$0x3FA9];
	_ =	sdelay $0x3  }
0x34: {  	[smem:$0x3FA9] =	sst s10  }
0x35: {  	s10 =	sld [smem:$0x3FA8];
	_ =	sdelay $0x3  }
0x36: {  	p1 =	seq.s32 s10, $0x1;
	s10 =	sld [smem:$0x3FA9];
	_ =	sdelay $0x3  }
0x37: {  	[smem:$0x3FA9] =	sst s10  }
0x38: {  	s10 =	sld [smem:$0x3FAA]  }
0x39: {  	_ = 	snop;
	(pc) =	sbr.ind lr, $3  }
0x3a: {  	_ = 	snop  }
0x3b: {  	_ = 	snop  }
0x3c: {  	p2 =	seq.s32 s10, $0x1;
	s10 =	sld [smem:$0x3FA9]  }
0x3d: {  	_ =	shalt  }
0x3e: {  	_ =	shalt  }
0x3f: {  	_ =	shalt  }
0x40: {  	_ =	shalt  }
0x41: {  	_ =	shalt  }
0x42: {  	_ =	shalt  }
0x43: {  	_ =	shalt  }
0x44: {  	_ =	shalt  }
0x45: {  	_ =	shalt  }
0x46: {  	_ =	shalt  }
0x47: {  	_ =	shalt  }
0x48: {  	_ =	shalt  }
0x49: {  	_ =	shalt  }
0x4a: {  	_ =	shalt  }
0x4b: {  	_ =	shalt  }
0x4c: {  	_ =	shalt  }
0x4d: {  	_ =	shalt  }
0x4e: {  	_ =	shalt  }
0x4f: {  	_ =	shalt  }
0x50: {  	_ =	shalt  }
0x51: {  	_ =	shalt  }
0x52: {  	_ =	shalt  }
0x53: {  	_ =	shalt  }
0x54: {  	_ =	shalt  }
0x55: {  	_ =	shalt  }
0x56: {  	_ =	shalt  }
0x57: {  	_ =	shalt  }
0x58: {  	_ =	shalt  }
0x59: {  	_ =	shalt  }
0x5a: {  	_ =	shalt  }
0x5b: {  	_ =	shalt  }
0x5c: {  	_ =	shalt  }
0x5d: {  	_ =	shalt  }
0x5e: {  	_ =	shalt  }
0x5f: {  	_ =	shalt  }
0x60: {  	_ =	shalt  }
0x61: {  	_ =	shalt  }
0x62: {  	_ =	shalt  }
0x63: {  	_ =	shalt  }
0x64: {  	_ =	shalt  }
0x65: {  	_ =	shalt  }
0x66: {  	_ =	shalt  }
0x67: {  	_ =	shalt  }
0x68: {  	_ =	shalt  }
0x69: {  	_ =	shalt  }
0x6a: {  	_ =	shalt  }
0x6b: {  	_ =	shalt  }
0x6c: {  	_ =	shalt  }
0x6d: {  	_ =	shalt  }
0x6e: {  	_ =	shalt  }
0x6f: {  	_ =	shalt  }
0x70: {  	_ =	shalt  }
0x71: {  	_ =	shalt  }
0x72: {  	_ =	shalt  }
0x73: {  	_ =	shalt  }
0x74: {  	_ =	shalt  }
0x75: {  	_ =	shalt  }
0x76: {  	_ =	shalt  }
0x77: {  	_ =	shalt  }
0x78: {  	_ =	shalt  }
0x79: {  	_ =	shalt  }
0x7a: {  	_ =	shalt  }
0x7b: {  	_ =	shalt  }
0x7c: {  	_ =	shalt  }
0x7d: {  	_ =	shalt  }
0x7e: {  	_ =	shalt  }
0x7f: {  	_ =	shalt  }
0x80: {  	_ =	shalt  }
0x81: {  	_ =	shalt  }
0x82: {  	_ =	shalt  }
0x83: {  	_ =	shalt  }
0x84: {  	_ =	shalt  }
0x85: {  	_ =	shalt  }
0x86: {  	_ =	shalt  }
0x87: {  	_ =	shalt  }
.Lfunc_end0:
.L_simem_size_0:
called_computation_lowered:
.L_overlay_start_0:
0x88: {  	s2 =	sld [smem:$0x3FD9]  }
0x89: {  	s3 =	sld [smem:$0x3FFE];
	_ =	sdelay $0x1  }
0x8a: {  	s1 =	srdreg.scid  }
0x8b: {  	s0 =	sand.u32 $0x1, s1  }
0x8c: {  	s16 =	sshll.u32 s0, $0xA;
	s2 =	sadd.s32 s3, s2  }
0x8d: {  	s2 =	sadd.s32 s2, s16  }
0x8e: {  	[smem:$0x3FB5] =	sst s2  }
0x8f: {  	_ = 	snop  }
0x90: {  	(tm) =	ssettm $0x1  }
0x91: {  	s17 =	sld [smem:$0x3FFB];
	_ =	sdelay $0x3  }
0x92: {  	_ =	strace s17  }
0x93: {  	s2 =	sld [smem:$0x3FFC];
	_ =	sdelay $0x3  }
0x94: {  	_ =	strace s2  }
0x95: {  	s2 =	sld [smem:$0x3FFD];
	_ =	sdelay $0x3  }
0x96: {  	_ =	strace s2  }
0x97: {  	_ =	strace $0x8FFFFFFF  }
0x98: {  	s18 =	sld [smem:$0x3FDB];
	_ =	sdelay $0x1  }
0x99: {  	s19 =	simm.s32 $_scs_section_size  }
0x9a: {  	s4 =	simm.s32 $_size__tile_overlayer_lowered;
	s5 =	simm.s32 $_tile_overlayer_lowered  }
0x9b: {  	s22 =	simm.s32 $0x1BFF;
	s21 =	sshll.u32 s5, $0x1;
	s2 =	sadd.s32 s19, s18  }
0x9c: {  	s6 =	simm.s32 $0x0;
	s20 =	sshll.u32 s4, $0x1;
	s4 =	sadd.s32 s21, s2  }
0x9d: {  	[timem:s6], [sflag:s22] =	dma.local [hbm:s4], s20  }
0x9e: {  	_ =	swait.ge [sflag:s22], s20  }
0x9f: {  	s3 =	ssub.s32 $0x0, s20;
	[sflag:s22] =	ssyncset.done $0x0  }
0xa0: {  	[sflag:s22] =	ssyncadd.s32 s3;
	_ =	sdelay $0x1  }
0xa1: {  	s23 =	simm.s32 $0x1B8B  }
0xa2: {  	_ =	swait.ge [sflag:s23], $0x1  }
0xa3: {  	[sflag:s23] =	ssyncset.done $0x0  }
0xa4: {  	s25 =	simm.s32 $0x1B8E;
	s24 =	sld [smem:$0x3FFE];
	[sflag:s23] =	ssyncadd.s32 $0xFFFFFFFF  }
0xa5: {  	s26 =	simm.s32 $execute0_lowered;
	[smem:$0x3FD2] =	sst s25  }
0xa6: {  	s4 =	sshll.u32 s26, $0x1;
	_ =	strace $0x80000046;
	[dreg:$0x1] =	wrdreg $0xFFFFFFFF  }
0xa7: {  	s28 =	simm.s32 $_size_execute0_lowered;
	s2 =	sadd.s32 s2, s4;
	[dreg:$0x0] =	wrdreg $0x0  }
0xa8: {  	s4 =	sshll.u32 s28, $0x1;
	[dreg:$0x2] =	wrdreg s2  }
0xa9: {  	[dreg:$0x3] =	wrdreg s4  }
0xaa: {  	[dreg:$0x4] =	wrdreg $0xC0  }
0xab: {  	_ =	task [dreg:s6], $0x5FFFF  }
0xac: {  	[dreg:$0x1] =	wrdreg $0xFFFFFFFF  }
0xad: {  	[dreg:$0x0] =	wrdreg $0x60  }
0xae: {  	[dreg:$0x2] =	wrdreg s24  }
0xaf: {  	[dreg:$0x3] =	wrdreg $0x0  }
0xb0: {  	[dreg:$0x4] =	wrdreg $0x9  }
0xb1: {  	_ =	task.clear_ibuf [dreg:s6], $0x5FFFF;
	_ =	strace $0x90000046  }
0xb2: {  	s29 =	simm.s32 $0x9;
	_ =	strace $0x80000048  }
0xb3: {  	_ =	swait.ge [sflag:s29], $0x1  }
0xb4: {  	[sflag:s29] =	ssyncadd.s32 $0xFFFFFFFF  }
0xb5: {  	_ =	strace $0x90000048  }
0xb6: {  	_ =	sfence  }
0xb7: {  	s30 =	sld [smem:$0x0];
	_ =	sdelay $0x2  }
0xb8: {  	s31 =	sshll.u32 s1, $0xD;
	s1 =	sshrl.u32 s1, $0x2  }
0xb9: {  	s3 =	sand.u32 $0x4000, s31;
	s1 =	sadd.s32 s1, s30  }
0xba: {  	s0 =	sor.u32 s3, s0;
	s1 =	sshll.u32 s1, $0x11  }
0xbb: {  	s0 =	sor.u32 s1, s0  }
0xbc: {  	s0 =	sadd.s32 $0x8F2B, s0  }
0xbd: {  	[sflag:s0] =	ssyncadd.remote.s32 $0x1  }
0xbe: {  	_ =	sfence.sel $0xFFFF  }
0xbf: {  	[dreg:$0x0] =	wrdreg $0xFFFFFFFF;
	(pc) =	sbr.abs _section_cstart, $3  }
0xc0: {  	[dreg:$0x1] =	wrdreg $0xFFFFFFFF  }
0xc1: {  	_ =	task.clear_ibuf [dreg:s6], $0x2FFFF;
	_ =	strace $0x9FFFFFFF  }
0xc2: {  	(tm) =	ssettm $0x7FFFFFFF  }
0xc3: {  	_ =	shalt  }
tec
execute0_lowered:
.L_overlay_start_1:
0x0: {  	(tag) =	ssettag $0x1  }
0x1: {  	s6 =	rddreg [dreg:$0x0]  }
0x2: {  	s0 =	srdreg.scid;
	s2 =	rddreg [dreg:$0x1]  }
0x3: {  	s3 =	simm.s32 $0x0;
	s17 =	simm.s32 $0x1ADB0;
	s18 =	simm.s32 $0x2  }
0x4: {  	s19 =	simm.s32 $0x15F90;
	s20 =	simm.s32 $0x186A0;
	s21 =	simm.s32 $0x50  }
0x5: {  	s22 =	simm.s32 $0x1;
	s5 =	sand.u32 $0x1, s0;
	s0 =	stileid.u32  }
0x6: {  	s23 =	simm.s32 $0x0;
	[smem:$0x7FF] =	sst s3;
	s8 =	smul.u32 $0x2BF2, s0  }
0x7: {  	s4 =	sadd.s32 $0x16C00, s6;
	s1 =	sshll.u32 s5, $0x4;
	s9 =	smul.u32 $0x2BF20, s5  }
0x8: {  	s10 =	smul.u32 $0x57E40, s0;
	s5 =	ssub.s32 $0x2, s5;
	s1 =	sor.u32 s0, s1  }
0x9: {  	s30 =	sshrl.u32 s5, $0x1;
	s7 =	smul.u32 $0x4E2, s1;
	s1 =	rddreg [dreg:$0x2]  }
0xa: {  	_ =	strace $0x80000047;
	s29 =	sadd.s32 s8, s9;
	s31 =	sshrl.u32 s10, $0x2  }
0xb: {  	s16 =	ssub.s32 s5, s30;
	s15 =	sadd.s32 s29, s6;
	s5 =	sadd.s32 s31, s2  }
0xc: {  	s16 =	smax.u32 s16, $0x1;
	s14 =	sadd.s32 s7, s6;
	s6 =	sadd.s32 $0x2D00, s5  }
0xd: {  	s7 =	sadd.s32 $0x5A00, s5;
	s8 =	sadd.s32 $0x8700, s5;
	s9 =	sadd.s32 $0xB400, s5  }
0xe: {  	s10 =	sadd.s32 $0xE100, s5;
	s11 =	sadd.s32 $0x10E00, s5;
	s12 =	sadd.s32 $0x13B00, s5  }
0xf: {  	v0 =	vimm.f32 $0.0e+00;
	s15 =	sadd.s32 $0x42C00, s15;
	s13 =	sadd.s32 $0xCE00, s14;
	s14 =	sadd.s32 $0x3000, s14  }
.LBB2_1:
0x10: {  	s24 =	smul.u32 $0xE38F, s3;
	_ =	sdelay $0x1  }
0x11: {  	s25 =	sshrl.u32 s24, $0x13  }
0x12: {  	s26 =	simm.s32 $0x0;
	s24 =	simm.s32 $0x1;
	s28 =	smul.u32 $0x9, s25  }
.LBB2_2:
0x13: {  	s29 =	smul.u32 $0xE38F, s24  }
0x14: {  	s30 =	smov.u32 s24;
	s25 =	smul.u32 $0x240, s25;
	p0 =	sne.s32 s24, $0x2CF  }
.Ltmp0:
0x15: {  	s26 =	ssub.s32 s26, s28;
	(pc) =	sbr.rel @p0 .LBB2_2-.Ltmp0, $4  }
0x16: {  	s24 =	sadd.s32 $0x1, s24;
	s26 =	sand.u32 $0xFFFF, s26  }
0x17: {  	s28 =	sshrl.u32 s25, $0x2;
	s31 =	sshll.u32 s26, $0x4;
	s26 =	smov.u32 s30  }
0x18: {  	s25 =	sshrl.u32 s29, $0x13;
	s29 =	sadd.s32 s31, s28  }
0x19: {  	s28 =	smul.u32 $0x9, s25;
	[tilespmem:s29+$0x1ADB0] =	vst v0  }
0x1a: {  	_ = 	snop  }
0x1b: {  	s25 =	smul.u32 $0x240, s25;
	s24 =	ssub.s32 s26, s28  }
0x1c: {  	s24 =	sand.u32 $0xFFFF, s24  }
0x1d: {  	s25 =	sshrl.u32 s25, $0x2;
	s24 =	sshll.u32 s24, $0x4  }
0x1e: {  	s24 =	sadd.s32 s24, s25  }
0x1f: {  	[tilespmem:s24+$0x1ADB0] =	vst v0  }
0x20: {  	[spmem:s5] =	stream.linear.scatter [tilespmem:s17], [sflag:$0x2], $0x2D00, $0x38;
	[tilespmem:$0x1DAB0] =	vst v63  }
0x21: {  	_ =	swait.ge [sflag:s18], $0x2D00  }
0x22: {  	[sflag:s18] =	ssyncset.done $0x0  }
0x23: {  	[sflag:s18] =	ssyncadd.s32 $0xFFFFD300  }
0x24: {  	[spmem:s6] =	stream.linear.scatter [tilespmem:s17], [sflag:$0x2], $0x2D00, $0x38;
	[tilespmem:$0x1DAB0] =	vst v63  }
0x25: {  	_ =	swait.ge [sflag:s18], $0x2D00  }
0x26: {  	[sflag:s18] =	ssyncset.done $0x0  }
0x27: {  	[sflag:s18] =	ssyncadd.s32 $0xFFFFD300  }
0x28: {  	[spmem:s7] =	stream.linear.scatter [tilespmem:s17], [sflag:$0x2], $0x2D00, $0x38;
	[tilespmem:$0x1DAB0] =	vst v63  }
0x29: {  	_ =	swait.ge [sflag:s18], $0x2D00  }
0x2a: {  	[sflag:s18] =	ssyncset.done $0x0  }
0x2b: {  	[sflag:s18] =	ssyncadd.s32 $0xFFFFD300  }
0x2c: {  	[spmem:s8] =	stream.linear.scatter [tilespmem:s17], [sflag:$0x2], $0x2D00, $0x38;
	[tilespmem:$0x1DAB0] =	vst v63  }
0x2d: {  	_ =	swait.ge [sflag:s18], $0x2D00  }
0x2e: {  	[sflag:s18] =	ssyncset.done $0x0  }
0x2f: {  	[sflag:s18] =	ssyncadd.s32 $0xFFFFD300  }
0x30: {  	[spmem:s9] =	stream.linear.scatter [tilespmem:s17], [sflag:$0x2], $0x2D00, $0x38;
	[tilespmem:$0x1DAB0] =	vst v63  }
0x31: {  	_ =	swait.ge [sflag:s18], $0x2D00  }
0x32: {  	[sflag:s18] =	ssyncset.done $0x0  }
0x33: {  	[sflag:s18] =	ssyncadd.s32 $0xFFFFD300  }
0x34: {  	[spmem:s10] =	stream.linear.scatter [tilespmem:s17], [sflag:$0x2], $0x2D00, $0x38;
	[tilespmem:$0x1DAB0] =	vst v63  }
0x35: {  	_ =	swait.ge [sflag:s18], $0x2D00  }
0x36: {  	[sflag:s18] =	ssyncset.done $0x0  }
0x37: {  	[sflag:s18] =	ssyncadd.s32 $0xFFFFD300  }
0x38: {  	[spmem:s11] =	stream.linear.scatter [tilespmem:s17], [sflag:$0x2], $0x2D00, $0x38;
	[tilespmem:$0x1DAB0] =	vst v63  }
0x39: {  	_ =	swait.ge [sflag:s18], $0x2D00  }
0x3a: {  	[sflag:s18] =	ssyncset.done $0x0  }
0x3b: {  	[sflag:s18] =	ssyncadd.s32 $0xFFFFD300  }
0x3c: {  	[spmem:s12] =	stream.linear.scatter [tilespmem:s17], [sflag:$0x2], $0x2490, $0x38;
	[tilespmem:$0x1DAB0] =	vst v63  }
0x3d: {  	_ =	swait.ge [sflag:s18], $0x2490  }
0x3e: {  	[sflag:s18] =	ssyncset.done $0x0  }
0x3f: {  	s29 =	simm.s32 $0x0;
	[sflag:s18] =	ssyncadd.s32 $0xFFFFDB70  }
0x40: {  	[tilespmem:s19], [sflag:$0x2] =	stream.linear.gather [hbm4b:s13+s29], $0x2710, $0x38;
	[tilespmem:$0x1DAB0] =	vst v63  }
0x41: {  	_ =	swait.ge [sflag:s18], $0x2710  }
0x42: {  	[sflag:s18] =	ssyncset.done $0x0  }
0x43: {  	[sflag:s18] =	ssyncadd.s32 $0xFFFFD8F0  }
0x44: {  	[tilespmem:s20], [sflag:$0x2] =	stream.linear.gather [hbm4b:s14+s29], $0x2710, $0x38;
	[tilespmem:$0x1DAB0] =	vst v63  }
0x45: {  	_ =	swait.ge [sflag:s18], $0x2710  }
0x46: {  	[sflag:s18] =	ssyncset.done $0x0  }
0x47: {  	[sflag:s18] =	ssyncadd.s32 $0xFFFFD8F0  }
0x48: {  	s30 =	simm.s32 $0x15F90;
	[bflag:$0x0] =	sbarrier.arrive $0xFFFF  }
0x49: {  	[tilespmem:s17], [sflag:$0x1] =	stream.indirect.gather [hbm4b:s4+s21], $0x90, s30, s21, $0xb8;
	[tilespmem:$0x1DAB0] =	vst v63  }
0x4a: {  	_ =	swait.ge [sflag:s22], $0x2D00  }
0x4b: {  	[sflag:s22] =	ssyncset.done $0x0  }
0x4c: {  	s31 =	simm.s32 $0x186A0;
	[sflag:s22] =	ssyncadd.s32 $0xFFFFD300  }
0x4d: {  	[spmem:s2] =	stream.indirect.scatter.add.f32 [tilespmem:s17], [sflag:$0x2], $0x90, s31, s21, $0xb8;
	[tilespmem:$0x1DAB0] =	vst v63  }
0x4e: {  	_ =	swait.ge [sflag:s18], $0x2D00  }
0x4f: {  	s25 =	simm.s32 $0x280;
	s24 =	simm.s32 $0x50;
	[sflag:s18] =	ssyncset.done $0x0  }
.LBB2_4:
0x50: {  	s26 =	sadd.s32 $0x15F90, s24  }
0x51: {  	[sflag:s18] =	ssyncadd.s32 $0xFFFFD300;
	s28 =	smov.u32 s25;
	s29 =	sadd.s32 $0x140, s25  }
0x52: {  	[tilespmem:s17], [sflag:$0x1] =	stream.indirect.gather [hbm4b:s4+s21], $0x90, s26, s21, $0xb8;
	[tilespmem:$0x1DAB0] =	vst v63  }
0x53: {  	p0 =	sne.s32 s25, $0x9B00;
	_ =	swait.ge [sflag:s22], $0x2D00  }
.Ltmp1:
0x54: {  	[sflag:s22] =	ssyncset.done $0x0;
	(pc) =	sbr.rel @p0 .LBB2_4-.Ltmp1, $4  }
0x55: {  	s24 =	sadd.s32 $0x186A0, s24;
	[sflag:s22] =	ssyncadd.s32 $0xFFFFD300  }
0x56: {  	[spmem:s2] =	stream.indirect.scatter.add.f32 [tilespmem:s17], [sflag:$0x2], $0x90, s24, s21, $0xb8;
	[tilespmem:$0x1DAB0] =	vst v63  }
0x57: {  	_ =	swait.ge [sflag:s18], $0x2D00  }
0x58: {  	s25 =	smov.u32 s29;
	s24 =	sshra.s32 s28, $0x2;
	[sflag:s18] =	ssyncset.done $0x0  }
0x59: {  	s25 =	sadd.s32 $0x15F90, s24;
	[sflag:s18] =	ssyncadd.s32 $0xFFFFD300  }
0x5a: {  	[tilespmem:s17], [sflag:$0x1] =	stream.indirect.gather [hbm4b:s4+s21], $0x90, s25, s21, $0xb8;
	[tilespmem:$0x1DAB0] =	vst v63  }
0x5b: {  	_ =	swait.ge [sflag:s22], $0x2D00  }
0x5c: {  	[sflag:s22] =	ssyncset.done $0x0  }
0x5d: {  	s29 =	sadd.s32 $0x186A0, s24;
	[sflag:s22] =	ssyncadd.s32 $0xFFFFD300  }
0x5e: {  	[spmem:s2] =	stream.indirect.scatter.add.f32 [tilespmem:s17], [sflag:$0x2], $0x90, s29, s21, $0xb8;
	[tilespmem:$0x1DAB0] =	vst v63  }
0x5f: {  	_ =	swait.ge [sflag:s18], $0x2D00  }
0x60: {  	s30 =	sshll.u32 s0, $0x6;
	s23 =	sadd.s32 $0x1, s23;
	[sflag:s18] =	ssyncset.done $0x0  }
0x61: {  	s31 =	sshrl.u32 s5, $0x3;
	p0 =	sne.s32 s23, s16;
	[sflag:s18] =	ssyncadd.s32 $0xFFFFD300  }
.Ltmp2:
0x62: {  	s24 =	sor.u32 $0x1C02, s30;
	[bflag:$0x0] =	sbarrier.arrive $0xFFFF;
	(pc) =	sbr.rel @p0 .LBB2_1-.Ltmp2, $4  }
0x63: {  	[hbm:s15], [sflag:s24] =	dma.local [spmem:s31], $0x2BF2  }
0x64: {  	_ =	swait.ge [sflag:s18], $0x2BF2  }
0x65: {  	[sflag:s18] =	ssyncset.done $0x0  }
0x66: {  	[sflag:s18] =	ssyncadd.s32 $0xFFFFD40E  }
0x67: {  	_ =	sfence.sel $0x180000  }
0x68: {  	[bflag:$0x0] =	sbarrier.arrive $0xFFFF  }
0x69: {  	p0 =	sne.s32 s0, $0x0;
	_ =	strace $0x90000047  }
0x6a: {  	s0 =	sadd.s32 @!p0 $0x100000, s1;
	[bflag:$0x2] =	sbarrier.arrive $0xFFFF  }
0x6b: {  	[sflag:s0] =	ssyncadd.tile.s32 @!p0 $0x1;
	_ =	shalt  }
.Lfunc_end2:
_tile_overlayer_lowered:
.L_overlay_start_2:
0x6c: {  	(tag) =	ssettag $0x2  }
0x6d: {  	s0 =	rddreg [dreg:$0x0];
	s2 =	stileid.u32  }
0x6e: {  	s1 =	rddreg [dreg:$0x1];
	p0 =	sne.s32 s2, $0x0  }
0x6f: {  	s3 =	rddreg [dreg:$0x2];
	[bflag:$0x3] =	sbarrier.arrive $0xFFFF;
	s2 =	simm.s32 @!p0 $0x1C02  }
0x70: {  	[timem:s3], [sflag:s2] =	dma.local @!p0 [hbm:s0], s1  }
0x71: {  	s0 =	simm.s32 @!p0 $0x2  }
0x72: {  	_ =	swait.ge @!p0 [sflag:s0], s1  }
0x73: {  	s1 =	ssub.s32 @!p0 $0x0, s1;
	[sflag:s0] =	ssyncset.done @!p0 $0x0  }
0x74: {  	[sflag:s0] =	ssyncadd.s32 @!p0 s1  }
0x75: {  	[bflag:$0x3] =	sbarrier.arrive $0xFFFF  }
0x76: {  	_ =	shalt  }

// kernel: kernel.9.cloned.1.call-start
scs
__scs_entry_jumppad:
0x0: {  	(pc) =	sbr.rel $0x88, $3  }
0x1: {  	(tag) =	ssettag $0x0;
	lr =	simm.s32 $0x1  }
0x2: {  	[smem:$0x3F8E] =	sst lr;
	_ =	strace $0xD0000000  }
0x3: {  	_ = 	snop  }
0x4: {  	_ = 	snop  }
0x5: {  	_ = 	snop  }
0x6: {  	_ = 	snop  }
0x7: {  	_ = 	snop  }
__scs_overlays_trampoline_lowered:
0x8: {  	[smem:$0x3F9D] =	sst s0  }
0x9: {  	[smem:$0x3F9E] =	sst s1  }
0xa: {  	[smem:$0x3F9F] =	sst s2  }
0xb: {  	[smem:$0x3FA0] =	sst s3  }
0xc: {  	[smem:$0x3FA1] =	sst s4  }
0xd: {  	[smem:$0x3FA2] =	sst s5  }
0xe: {  	[smem:$0x3FA3] =	sst s6  }
0xf: {  	[smem:$0x3FA4] =	sst s7  }
0x10: {  	[smem:$0x3FA5] =	sst s8  }
0x11: {  	[smem:$0x3FA6] =	sst s9;
	s0 =	simm.s32 @!p0 $0x0  }
0x12: {  	s1 =	sld [smem:$0x3F8C];
	s0 =	simm.s32 @p0 $0x1  }
0x13: {  	[smem:$0x3FA7] =	sst s0;
	s0 =	simm.s32 @!p1 $0x0  }
0x14: {  	s2 =	sld [smem:$0x3F8B];
	s0 =	simm.s32 @p1 $0x1  }
0x15: {  	[smem:$0x3FA8] =	sst s0;
	s0 =	simm.s32 @!p2 $0x0  }
0x16: {  	s3 =	sld [smem:$0x3FDB];
	s0 =	simm.s32 @p2 $0x1  }
0x17: {  	s4 =	simm.s32 $0x1BF5;
	[smem:$0x3FAA] =	sst s0  }
0x18: {  	s0 =	sld [smem:$0x3F8D];
	_ =	swait.ge [sflag:s4], $0x0  }
0x19: {  	s7 =	sld [smem:$0x3F8E]  }
0x1a: {  	s8 =	sadd.s32 $0xFFFFE003, lr  }
0x1b: {  	s9 =	sadd.s32 $0xFFFFFEF7, lr;
	s5 =	simm.s32 $0xFFFFFFFF;
	p2 =	slt.u32 s8, $0xFFFFF086  }
0x1c: {  	p1 =	slt.u32 s9, $0xF7A;
	s5 =	simm.s32 @!p2 $0x0  }
0x1d: {  	s5 =	simm.s32 @p1 $0x1;
	p0 =	seq.s32 s7, s2  }
0x1e: {  	s7 =	smul.u32 @!p0 $0xF7A, s2;
	p2 =	seq.s32 @!p0 s5, $0x0  }
0x1f: {  	s9 =	smul.u32 $0xF7A, s1;
	s8 =	simm.s32 @!p0 $0x1BF5;
	p2 =	por !p2, p0  }
0x20: {  	[sflag:s8] =	ssyncset.s32 @!p0 $0xFFFFF086;
	s6 =	sadd.s32 @!p0 s3, s7;
	s7 =	simm.s32 @!p0 $0x108  }
0x21: {  	s3 =	sadd.s32 s3, s9;
	s6 =	sadd.s32 @!p0 $0x88, s6;
	s7 =	simm.s32 @p2 $0x1082  }
0x22: {  	[simem:s7], [sflag:s8] =	dma.local @!p0 [hbm:s6], $0xF7A  }
0x23: {  	s9 =	sor.u32 $0xD0000000, s2;
	s6 =	simm.s32 $0x108;
	_ =	swait.ge @!p0 [sflag:s8], $0x0  }
0x24: {  	s3 =	sadd.s32 $0x88, s3;
	s6 =	simm.s32 @!p1 $0x1082;
	[sflag:s4] =	ssyncset.s32 $0xFFFFF086  }
0x25: {  	[simem:s6], [sflag:s4] =	dma.local [hbm:s3], $0xF7A  }
0x26: {  	[smem:$0x3F8E] =	sst s1;
	(tag) =	ssettag s2;
	_ =	strace s9  }
0x27: {  	s1 =	sld [smem:$0x3F9E]  }
0x28: {  	s2 =	sld [smem:$0x3F9F]  }
0x29: {  	s4 =	sld [smem:$0x3FA1]  }
0x2a: {  	p0 =	seq.s32 s5, $0x0;
	s5 =	sld [smem:$0x3FA2]  }
0x2b: {  	s6 =	sld [smem:$0x3FA3]  }
0x2c: {  	s7 =	sld [smem:$0x3FA4]  }
0x2d: {  	s3 =	simm.s32 $0x108;
	s8 =	sld [smem:$0x3FA5]  }
0x2e: {  	s3 =	simm.s32 @!p0 $0x1082;
	s9 =	sld [smem:$0x3FA6]  }
0x2f: {  	lr =	sadd.s32 s0, s3;
	s0 =	sld [smem:$0x3F9D]  }
0x30: {  	s3 =	sld [smem:$0x3FA0]  }
0x31: {  	[smem:$0x3FA9] =	sst s10  }
0x32: {  	s10 =	sld [smem:$0x3FA7];
	_ =	sdelay $0x3  }
0x33: {  	p0 =	seq.s32 s10, $0x1;
	s10 =	sld [smem:$0x3FA9];
	_ =	sdelay $0x3  }
0x34: {  	[smem:$0x3FA9] =	sst s10  }
0x35: {  	s10 =	sld [smem:$0x3FA8];
	_ =	sdelay $0x3  }
0x36: {  	p1 =	seq.s32 s10, $0x1;
	s10 =	sld [smem:$0x3FA9];
	_ =	sdelay $0x3  }
0x37: {  	[smem:$0x3FA9] =	sst s10  }
0x38: {  	s10 =	sld [smem:$0x3FAA]  }
0x39: {  	_ = 	snop;
	(pc) =	sbr.ind lr, $3  }
0x3a: {  	_ = 	snop  }
0x3b: {  	_ = 	snop  }
0x3c: {  	p2 =	seq.s32 s10, $0x1;
	s10 =	sld [smem:$0x3FA9]  }
0x3d: {  	_ =	shalt  }
0x3e: {  	_ =	shalt  }
0x3f: {  	_ =	shalt  }
0x40: {  	_ =	shalt  }
0x41: {  	_ =	shalt  }
0x42: {  	_ =	shalt  }
0x43: {  	_ =	shalt  }
0x44: {  	_ =	shalt  }
0x45: {  	_ =	shalt  }
0x46: {  	_ =	shalt  }
0x47: {  	_ =	shalt  }
0x48: {  	_ =	shalt  }
0x49: {  	_ =	shalt  }
0x4a: {  	_ =	shalt  }
0x4b: {  	_ =	shalt  }
0x4c: {  	_ =	shalt  }
0x4d: {  	_ =	shalt  }
0x4e: {  	_ =	shalt  }
0x4f: {  	_ =	shalt  }
0x50: {  	_ =	shalt  }
0x51: {  	_ =	shalt  }
0x52: {  	_ =	shalt  }
0x53: {  	_ =	shalt  }
0x54: {  	_ =	shalt  }
0x55: {  	_ =	shalt  }
0x56: {  	_ =	shalt  }
0x57: {  	_ =	shalt  }
0x58: {  	_ =	shalt  }
0x59: {  	_ =	shalt  }
0x5a: {  	_ =	shalt  }
0x5b: {  	_ =	shalt  }
0x5c: {  	_ =	shalt  }
0x5d: {  	_ =	shalt  }
0x5e: {  	_ =	shalt  }
0x5f: {  	_ =	shalt  }
0x60: {  	_ =	shalt  }
0x61: {  	_ =	shalt  }
0x62: {  	_ =	shalt  }
0x63: {  	_ =	shalt  }
0x64: {  	_ =	shalt  }
0x65: {  	_ =	shalt  }
0x66: {  	_ =	shalt  }
0x67: {  	_ =	shalt  }
0x68: {  	_ =	shalt  }
0x69: {  	_ =	shalt  }
0x6a: {  	_ =	shalt  }
0x6b: {  	_ =	shalt  }
0x6c: {  	_ =	shalt  }
0x6d: {  	_ =	shalt  }
0x6e: {  	_ =	shalt  }
0x6f: {  	_ =	shalt  }
0x70: {  	_ =	shalt  }
0x71: {  	_ =	shalt  }
0x72: {  	_ =	shalt  }
0x73: {  	_ =	shalt  }
0x74: {  	_ =	shalt  }
0x75: {  	_ =	shalt  }
0x76: {  	_ =	shalt  }
0x77: {  	_ =	shalt  }
0x78: {  	_ =	shalt  }
0x79: {  	_ =	shalt  }
0x7a: {  	_ =	shalt  }
0x7b: {  	_ =	shalt  }
0x7c: {  	_ =	shalt  }
0x7d: {  	_ =	shalt  }
0x7e: {  	_ =	shalt  }
0x7f: {  	_ =	shalt  }
0x80: {  	_ =	shalt  }
0x81: {  	_ =	shalt  }
0x82: {  	_ =	shalt  }
0x83: {  	_ =	shalt  }
0x84: {  	_ =	shalt  }
0x85: {  	_ =	shalt  }
0x86: {  	_ =	shalt  }
0x87: {  	_ =	shalt  }
.Lfunc_end0:
.L_simem_size_0:
called_computation.1_lowered:
.L_overlay_start_0:
0x88: {  	s2 =	sld [smem:$0x3FD9]  }
0x89: {  	s3 =	sld [smem:$0x3FFE];
	_ =	sdelay $0x1  }
0x8a: {  	s1 =	srdreg.scid  }
0x8b: {  	s0 =	sand.u32 $0x1, s1  }
0x8c: {  	s17 =	sshll.u32 s0, $0xA;
	s2 =	sadd.s32 s3, s2  }
0x8d: {  	s2 =	sadd.s32 s2, s17  }
0x8e: {  	[smem:$0x3FB5] =	sst s2  }
0x8f: {  	_ = 	snop  }
0x90: {  	s2 =	sld [smem:$0x3FC7];
	(tm) =	ssettm $0x1  }
0x91: {  	s18 =	sld [smem:$0x3FFB];
	_ =	sdelay $0x3  }
0x92: {  	_ =	strace s18  }
0x93: {  	s3 =	sld [smem:$0x3FFC];
	_ =	sdelay $0x3  }
0x94: {  	_ =	strace s3  }
0x95: {  	s3 =	sld [smem:$0x3FFD];
	_ =	sdelay $0x3  }
0x96: {  	_ =	strace s3  }
0x97: {  	_ =	strace $0x8FFFFFFF  }
0x98: {  	s19 =	sld [smem:$0x3FDB];
	_ =	sdelay $0x1  }
0x99: {  	s4 =	simm.s32 $_scs_section_size  }
0x9a: {  	s5 =	simm.s32 $_size__tile_overlayer_lowered;
	s6 =	simm.s32 $_tile_overlayer_lowered  }
0x9b: {  	s22 =	simm.s32 $0x1BFF;
	s21 =	sshll.u32 s6, $0x1;
	s3 =	sadd.s32 s4, s19  }
0x9c: {  	s7 =	simm.s32 $0x0;
	s20 =	sshll.u32 s5, $0x1;
	s5 =	sadd.s32 s21, s3  }
0x9d: {  	[timem:s7], [sflag:s22] =	dma.local [hbm:s5], s20  }
0x9e: {  	_ =	swait.ge [sflag:s22], s20  }
0x9f: {  	s4 =	ssub.s32 $0x0, s20;
	[sflag:s22] =	ssyncset.done $0x0  }
0xa0: {  	[sflag:s22] =	ssyncadd.s32 s4;
	_ =	sdelay $0x1  }
0xa1: {  	s23 =	simm.s32 $0x1B8B  }
0xa2: {  	_ =	swait.ge [sflag:s23], $0x1  }
0xa3: {  	[sflag:s23] =	ssyncset.done $0x0  }
0xa4: {  	s25 =	simm.s32 $0x1B8E;
	s24 =	sld [smem:$0x3FFE];
	[sflag:s23] =	ssyncadd.s32 $0xFFFFFFFF  }
0xa5: {  	s26 =	simm.s32 $execute0_lowered;
	[smem:$0x3FD2] =	sst s25  }
0xa6: {  	s5 =	sshll.u32 s26, $0x1;
	_ =	strace $0x80000049;
	[dreg:$0x1] =	wrdreg $0xFFFFFFFF  }
0xa7: {  	s28 =	simm.s32 $_size_execute0_lowered;
	s3 =	sadd.s32 s3, s5;
	[dreg:$0x0] =	wrdreg $0x0  }
0xa8: {  	s5 =	sshll.u32 s28, $0x1;
	[dreg:$0x2] =	wrdreg s3  }
0xa9: {  	[dreg:$0x3] =	wrdreg s5  }
0xaa: {  	[dreg:$0x4] =	wrdreg $0xC0  }
0xab: {  	_ =	task [dreg:s7], $0x5FFFF  }
0xac: {  	[dreg:$0x1] =	wrdreg $0xFFFFFFFF  }
0xad: {  	[dreg:$0x0] =	wrdreg $0x60  }
0xae: {  	[dreg:$0x2] =	wrdreg s24  }
0xaf: {  	[dreg:$0x3] =	wrdreg s2  }
0xb0: {  	[dreg:$0x4] =	wrdreg $0x0  }
0xb1: {  	[dreg:$0x5] =	wrdreg $0x9  }
0xb2: {  	_ =	task.clear_ibuf [dreg:s7], $0x6FFFF;
	_ =	strace $0x90000049  }
0xb3: {  	s29 =	simm.s32 $0x9;
	_ =	strace $0x8000004B  }
0xb4: {  	_ =	swait.ge [sflag:s29], $0x1  }
0xb5: {  	[sflag:s29] =	ssyncadd.s32 $0xFFFFFFFF  }
0xb6: {  	_ =	strace $0x9000004B  }
0xb7: {  	_ =	sfence  }
0xb8: {  	s30 =	sld [smem:$0x0];
	_ =	sdelay $0x2  }
0xb9: {  	s31 =	sshll.u32 s1, $0xD;
	s1 =	sshrl.u32 s1, $0x2  }
0xba: {  	s3 =	sand.u32 $0x4000, s31;
	s1 =	sadd.s32 s1, s30  }
0xbb: {  	s0 =	sor.u32 s3, s0;
	s1 =	sshll.u32 s1, $0x11  }
0xbc: {  	s0 =	sor.u32 s1, s0  }
0xbd: {  	s0 =	sadd.s32 $0x8F2B, s0  }
0xbe: {  	[sflag:s0] =	ssyncadd.remote.s32 $0x1  }
0xbf: {  	_ =	sfence.sel $0xFFFF  }
0xc0: {  	[dreg:$0x0] =	wrdreg $0xFFFFFFFF;
	(pc) =	sbr.abs _section_cstart, $3  }
0xc1: {  	[dreg:$0x1] =	wrdreg $0xFFFFFFFF  }
0xc2: {  	_ =	task.clear_ibuf [dreg:s7], $0x2FFFF;
	_ =	strace $0x9FFFFFFF  }
0xc3: {  	(tm) =	ssettm $0x7FFFFFFF  }
tec
execute0_lowered:
.L_overlay_start_1:
0x0: {  	(tag) =	ssettag $0x1  }
0x1: {  	s0 =	rddreg [dreg:$0x0]  }
0x2: {  	s2 =	rddreg [dreg:$0x1]  }
0x3: {  	s1 =	rddreg [dreg:$0x2]  }
0x4: {  	s3 =	srdreg.scid;
	s15 =	stileid.u32  }
0x5: {  	s24 =	simm.s32 $0x1AEA0;
	s28 =	simm.s32 $0x40;
	s29 =	simm.s32 $0x1AEE0  }
0x6: {  	s30 =	simm.s32 $0x0;
	s16 =	sand.u32 $0x1, s3;
	s3 =	simm.s32 $0x0  }
0x7: {  	s19 =	sshll.u32 s15, $0xA;
	s6 =	smul.u32 $0x4E200, s15;
	s20 =	sadd.s32 $0x3DE00, s0  }
0x8: {  	s21 =	sadd.s32 $0x6D000, s0;
	s4 =	sshll.u32 s16, $0x4;
	[smem:$0x7FF] =	sst s3  }
0x9: {  	s17 =	sadd.s32 s19, s0;
	s7 =	ssub.s32 $0x2, s16;
	s22 =	sshll.u32 s16, $0xE  }
0xa: {  	p0 =	seq.s32 s16, $0x1;
	s4 =	sor.u32 s15, s4;
	_ =	strace $0x8000004A  }
0xb: {  	s25 =	sshrl.u32 s6, $0x2;
	s26 =	sshrl.u32 s7, $0x1;
	s15 =	sshll.u32 s15, $0x3  }
0xc: {  	s31 =	sadd.s32 s22, s17;
	s5 =	smul.u32 $0x4E2, s4;
	s4 =	sadd.s32 $0x16C00, s0  }
0xd: {  	s18 =	ssub.s32 s7, s26;
	s15 =	sadd.s32 s2, s15;
	s16 =	sadd.s32 $0x65000, s31  }
0xe: {  	s26 =	simm.s32 $0x1;
	s17 =	smax.u32 s18, $0x1;
	s18 =	smov.u32 s4  }
0xf: {  	s14 =	sadd.s32 s5, s0;
	s0 =	sadd.s32 $0x71000, s0;
	s5 =	sadd.s32 s25, s1  }
0x10: {  	s18 =	smov.u32 @p0 s20;
	s20 =	simm.s32 $0x186A0;
	s25 =	simm.s32 $0x50  }
0x11: {  	s6 =	sadd.s32 $0x2800, s5;
	s7 =	sadd.s32 $0x5000, s5;
	s8 =	sadd.s32 $0x7800, s5  }
0x12: {  	s9 =	sadd.s32 $0xA000, s5;
	s10 =	sadd.s32 $0xC800, s5;
	s11 =	sadd.s32 $0xF000, s5  }
0x13: {  	s12 =	sadd.s32 $0x11800, s5;
	s13 =	sadd.s32 $0xCE00, s14;
	s21 =	smov.u32 @p0 s0  }
0x14: {  	v0 =	vimm.f32 $0.0e+00;
	s14 =	sadd.s32 $0x3000, s14;
	s19 =	sadd.s32 s21, s19;
	s21 =	simm.s32 $0x2  }
.LBB2_1:
0x15: {  	s0 =	sand.u32 $0xFE00, s3  }
0x16: {  	s2 =	sand.u32 $0x70, s3;
	s0 =	sshrl.u32 s0, $0x2  }
0x17: {  	s31 =	simm.s32 $0x40;
	s2 =	sor.u32 s2, s0;
	s0 =	simm.s32 $0x0  }
.LBB2_2:
0x18: {  	p0 =	sne.s32 s31, $0x9FC0  }
0x19: {  	[tilespmem:s2+$0x186A0] =	vst v0;
	s0 =	sadd.s32 $0x10, s0;
	s2 =	smov.u32 s31;
	s31 =	sadd.s32 $0x40, s31  }
.Ltmp0:
0x1a: {  	(pc) =	sbr.rel @p0 .LBB2_2-.Ltmp0, $4  }
0x1b: {  	_ = 	snop  }
0x1c: {  	s2 =	sand.u32 $0xFE00, s2  }
0x1d: {  	s22 =	sand.u32 $0x70, s0;
	s2 =	sshrl.u32 s2, $0x2  }
0x1e: {  	s2 =	sor.u32 s22, s2  }
0x1f: {  	[tilespmem:s2+$0x186A0] =	vst v0  }
0x20: {  	[spmem:s5] =	stream.linear.scatter [tilespmem:s20], [sflag:$0x2], $0x2800, $0x38;
	[tilespmem:$0x1CEE0] =	vst v63  }
0x21: {  	_ =	swait.ge [sflag:s21], $0x2800  }
0x22: {  	[sflag:s21] =	ssyncset.done $0x0  }
0x23: {  	[sflag:s21] =	ssyncadd.s32 $0xFFFFD800  }
0x24: {  	[spmem:s6] =	stream.linear.scatter [tilespmem:s20], [sflag:$0x2], $0x2800, $0x38;
	[tilespmem:$0x1CEE0] =	vst v63  }
0x25: {  	_ =	swait.ge [sflag:s21], $0x2800  }
0x26: {  	[sflag:s21] =	ssyncset.done $0x0  }
0x27: {  	[sflag:s21] =	ssyncadd.s32 $0xFFFFD800  }
0x28: {  	[spmem:s7] =	stream.linear.scatter [tilespmem:s20], [sflag:$0x2], $0x2800, $0x38;
	[tilespmem:$0x1CEE0] =	vst v63  }
0x29: {  	_ =	swait.ge [sflag:s21], $0x2800  }
0x2a: {  	[sflag:s21] =	ssyncset.done $0x0  }
0x2b: {  	[sflag:s21] =	ssyncadd.s32 $0xFFFFD800  }
0x2c: {  	[spmem:s8] =	stream.linear.scatter [tilespmem:s20], [sflag:$0x2], $0x2800, $0x38;
	[tilespmem:$0x1CEE0] =	vst v63  }
0x2d: {  	_ =	swait.ge [sflag:s21], $0x2800  }
0x2e: {  	[sflag:s21] =	ssyncset.done $0x0  }
0x2f: {  	[sflag:s21] =	ssyncadd.s32 $0xFFFFD800  }
0x30: {  	[spmem:s9] =	stream.linear.scatter [tilespmem:s20], [sflag:$0x2], $0x2800, $0x38;
	[tilespmem:$0x1CEE0] =	vst v63  }
0x31: {  	_ =	swait.ge [sflag:s21], $0x2800  }
0x32: {  	[sflag:s21] =	ssyncset.done $0x0  }
0x33: {  	[sflag:s21] =	ssyncadd.s32 $0xFFFFD800  }
0x34: {  	[spmem:s10] =	stream.linear.scatter [tilespmem:s20], [sflag:$0x2], $0x2800, $0x38;
	[tilespmem:$0x1CEE0] =	vst v63  }
0x35: {  	_ =	swait.ge [sflag:s21], $0x2800  }
0x36: {  	[sflag:s21] =	ssyncset.done $0x0  }
0x37: {  	[sflag:s21] =	ssyncadd.s32 $0xFFFFD800  }
0x38: {  	[spmem:s11] =	stream.linear.scatter [tilespmem:s20], [sflag:$0x2], $0x2800, $0x38;
	[tilespmem:$0x1CEE0] =	vst v63  }
0x39: {  	_ =	swait.ge [sflag:s21], $0x2800  }
0x3a: {  	[sflag:s21] =	ssyncset.done $0x0  }
0x3b: {  	[sflag:s21] =	ssyncadd.s32 $0xFFFFD800  }
0x3c: {  	[spmem:s12] =	stream.linear.scatter [tilespmem:s20], [sflag:$0x2], $0x2080, $0x38;
	[tilespmem:$0x1CEE0] =	vst v63  }
0x3d: {  	_ =	swait.ge [sflag:s21], $0x2080  }
0x3e: {  	[sflag:s21] =	ssyncset.done $0x0  }
0x3f: {  	s0 =	simm.s32 $0x0;
	s22 =	simm.s32 $0x13880;
	[sflag:s21] =	ssyncadd.s32 $0xFFFFDF80  }
0x40: {  	[tilespmem:s22], [sflag:$0x2] =	stream.linear.gather [hbm4b:s13+s0], $0x2710, $0x38;
	[tilespmem:$0x1CEE0] =	vst v63  }
0x41: {  	_ =	swait.ge [sflag:s21], $0x2710  }
0x42: {  	[sflag:s21] =	ssyncset.done $0x0  }
0x43: {  	s23 =	simm.s32 $0x15F90;
	[sflag:s21] =	ssyncadd.s32 $0xFFFFD8F0  }
0x44: {  	[tilespmem:s23], [sflag:$0x2] =	stream.linear.gather [hbm4b:s14+s0], $0x2710, $0x38;
	[tilespmem:$0x1CEE0] =	vst v63  }
0x45: {  	_ =	swait.ge [sflag:s21], $0x2710  }
0x46: {  	[sflag:s21] =	ssyncset.done $0x0  }
0x47: {  	[sflag:s21] =	ssyncadd.s32 $0xFFFFD8F0  }
0x48: {  	[tilespmem:s24], [sflag:$0x2] =	stream.linear.gather [hbm4b:s15+s0], $0x40, $0x38;
	[tilespmem:$0x1CEE0] =	vst v63  }
0x49: {  	_ =	swait.ge [sflag:s21], $0x40  }
0x4a: {  	[sflag:s21] =	ssyncset.done $0x0  }
0x4b: {  	[sflag:s21] =	ssyncadd.s32 $0xFFFFFFC0  }
0x4c: {  	s22 =	simm.s32 $0x13880;
	[bflag:$0x0] =	sbarrier.arrive $0xFFFF  }
0x4d: {  	[tilespmem:s20], [sflag:$0x1] =	stream.indirect.gather [hbm4b:s4+s25], $0x80, s22, s25, $0xb8;
	[tilespmem:$0x1CEE0] =	vst v63  }
0x4e: {  	_ =	swait.ge [sflag:s26], $0x2800  }
0x4f: {  	[sflag:s26] =	ssyncset.done $0x0  }
0x50: {  	s23 =	simm.s32 $0x15F90;
	[sflag:s26] =	ssyncadd.s32 $0xFFFFD800  }
0x51: {  	[spmem:s1] =	stream.indirect.scatter.add.f32 [tilespmem:s20], [sflag:$0x2], $0x80, s23, s25, $0xb8;
	[tilespmem:$0x1CEE0] =	vst v63  }
0x52: {  	_ =	swait.ge [sflag:s21], $0x2800  }
0x53: {  	s31 =	simm.s32 $0x50;
	s0 =	simm.s32 $0x280;
	[sflag:s21] =	ssyncset.done $0x0  }
.LBB2_4:
0x54: {  	s2 =	sadd.s32 $0x13880, s31  }
0x55: {  	[sflag:s21] =	ssyncadd.s32 $0xFFFFD800;
	s22 =	smov.u32 s0;
	s23 =	sadd.s32 $0x140, s0  }
0x56: {  	[tilespmem:s20], [sflag:$0x1] =	stream.indirect.gather [hbm4b:s4+s25], $0x80, s2, s25, $0xb8;
	[tilespmem:$0x1CEE0] =	vst v63  }
0x57: {  	p0 =	sne.s32 s0, $0x9B00;
	_ =	swait.ge [sflag:s26], $0x2800  }
.Ltmp1:
0x58: {  	[sflag:s26] =	ssyncset.done $0x0;
	(pc) =	sbr.rel @p0 .LBB2_4-.Ltmp1, $4  }
0x59: {  	s0 =	sadd.s32 $0x15F90, s31;
	[sflag:s26] =	ssyncadd.s32 $0xFFFFD800  }
0x5a: {  	[spmem:s1] =	stream.indirect.scatter.add.f32 [tilespmem:s20], [sflag:$0x2], $0x80, s0, s25, $0xb8;
	[tilespmem:$0x1CEE0] =	vst v63  }
0x5b: {  	_ =	swait.ge [sflag:s21], $0x2800  }
0x5c: {  	s31 =	sshra.s32 s22, $0x2;
	s0 =	smov.u32 s23;
	[sflag:s21] =	ssyncset.done $0x0  }
0x5d: {  	s0 =	sadd.s32 $0x13880, s31;
	[sflag:s21] =	ssyncadd.s32 $0xFFFFD800  }
0x5e: {  	[tilespmem:s20], [sflag:$0x1] =	stream.indirect.gather [hbm4b:s4+s25], $0x80, s0, s25, $0xb8;
	[tilespmem:$0x1CEE0] =	vst v63  }
0x5f: {  	_ =	swait.ge [sflag:s26], $0x2800  }
0x60: {  	[sflag:s26] =	ssyncset.done $0x0  }
0x61: {  	s31 =	sadd.s32 $0x15F90, s31;
	[sflag:s26] =	ssyncadd.s32 $0xFFFFD800  }
0x62: {  	[spmem:s1] =	stream.indirect.scatter.add.f32 [tilespmem:s20], [sflag:$0x2], $0x80, s31, s25, $0xb8;
	[tilespmem:$0x1CEE0] =	vst v63  }
0x63: {  	_ =	swait.ge [sflag:s21], $0x2800  }
0x64: {  	[sflag:s21] =	ssyncset.done $0x0  }
0x65: {  	[sflag:s21] =	ssyncadd.s32 $0xFFFFD800  }
0x66: {  	[bflag:$0x0] =	sbarrier.arrive $0xFFFF  }
0x67: {  	[tilespmem:s29], [sflag:$0x1] =	stream.indirect.gather [spmem:s1], $0x80, s24, s28, $0xb8;
	[tilespmem:$0x1CEE0] =	vst v63  }
0x68: {  	_ =	swait.ge [sflag:s26], $0x2000  }
0x69: {  	[sflag:s26] =	ssyncset.done $0x0  }
0x6a: {  	[sflag:s26] =	ssyncadd.s32 $0xFFFFE000  }
0x6b: {  	[hbm4b:s16+s3] =	stream.linear.scatter [tilespmem:s29], [sflag:$0x2], $0x2000, $0x38;
	[tilespmem:$0x1CEE0] =	vst v63  }
0x6c: {  	_ =	swait.ge [sflag:s21], $0x2000  }
0x6d: {  	[sflag:s21] =	ssyncset.done $0x0  }
0x6e: {  	[sflag:s21] =	ssyncadd.s32 $0xFFFFE000  }
0x6f: {  	[tilespmem:s29], [sflag:$0x1] =	stream.indirect.gather [hbm4b:s18+s28], $0x80, s24, s28, $0xb8;
	[tilespmem:$0x1CEE0] =	vst v63  }
0x70: {  	s30 =	sadd.s32 $0x1, s30;
	_ =	swait.ge [sflag:s26], $0x2000  }
0x71: {  	p0 =	sne.s32 s30, s17;
	[sflag:s26] =	ssyncset.done $0x0  }
.Ltmp2:
0x72: {  	[sflag:s26] =	ssyncadd.s32 $0xFFFFE000;
	(pc) =	sbr.rel @p0 .LBB2_1-.Ltmp2, $4  }
0x73: {  	[hbm4b:s19+s3] =	stream.linear.scatter [tilespmem:s29], [sflag:$0x2], $0x2000, $0x38;
	[tilespmem:$0x1CEE0] =	vst v63  }
0x74: {  	_ =	swait.ge [sflag:s21], $0x2000  }
0x75: {  	[sflag:s21] =	ssyncset.done $0x0  }
0x76: {  	[sflag:s21] =	ssyncadd.s32 $0xFFFFE000  }
0x77: {  	_ =	sfence.sel $0x180000  }
0x78: {  	[bflag:$0x0] =	sbarrier.arrive $0xFFFF  }
0x79: {  	_ =	strace $0x9000004A  }
0x7a: {  	s0 =	stileid.u32;
	[bflag:$0x2] =	sbarrier.arrive $0xFFFF  }
0x7b: {  	p0 =	sne.s32 s0, $0x0;
	s0 =	rddreg [dreg:$0x3]  }
0x7c: {  	s0 =	sadd.s32 @!p0 $0x100000, s0  }
0x7d: {  	[sflag:s0] =	ssyncadd.tile.s32 @!p0 $0x1;
	_ =	shalt  }
.Lfunc_end2:
_tile_overlayer_lowered:
.L_overlay_start_2:
0x7e: {  	(tag) =	ssettag $0x2  }
0x7f: {  	s0 =	rddreg [dreg:$0x0];
	s2 =	stileid.u32  }
0x80: {  	s1 =	rddreg [dreg:$0x1];
	p0 =	sne.s32 s2, $0x0  }
0x81: {  	s3 =	rddreg [dreg:$0x2];
	[bflag:$0x3] =	sbarrier.arrive $0xFFFF;
	s2 =	simm.s32 @!p0 $0x1C02  }
0x82: {  	[timem:s3], [sflag:s2] =	dma.local @!p0 [hbm:s0], s1  }
0x83: {  	s0 =	simm.s32 @!p0 $0x2  }
0x84: {  	_ =	swait.ge @!p0 [sflag:s0], s1  }
0x85: {  	s1 =	ssub.s32 @!p0 $0x0, s1;
	[sflag:s0] =	ssyncset.done @!p0 $0x0  }
0x86: {  	[sflag:s0] =	ssyncadd.s32 @!p0 s1  }
0x87: {  	[bflag:$0x3] =	sbarrier.arrive $0xFFFF  }
0x88: {  	_ =	shalt  }

</sc_bundles>
